<compile_context>
chip_gen: v7x
topology: tpu7x:2x2x1
jax: 0.10.2.dev20260603
libtpu: 0.0.44.dev20260713+nightly
codegen_flags: <defaults>
</compile_context>

<pallas_src>
import functools

import jax
import jax.numpy as jnp
from jax import lax
from jax.experimental import pallas as pl
from jax.experimental.pallas import tpu as pltpu
from jax.experimental.pallas import tpu_sc as plsc

_SCALE = 10.0


@functools.cache
def _make_sc_lookup(B, V, D):
    info = plsc.get_sparse_core_info()
    NC, NS, L = info.num_cores, info.num_subcores, info.num_lanes
    NW = NC * NS
    assert D % NW == 0 and B % L == 0
    rows_per_w = D // NW
    C = 4096
    n_chunks = B // C
    assert B % C == 0
    mesh = plsc.VectorSubcoreMesh(core_axis_name="c", subcore_axis_name="s")

    @functools.partial(
        pl.kernel,
        mesh=mesh,
        out_type=jax.ShapeDtypeStruct((D, B), jnp.float32),
        compiler_params=pltpu.CompilerParams(
            needs_layout_passes=False,
            disable_bounds_checks=True,
            disable_semaphore_checks=True,
        ),
        scratch_types=[
            pltpu.VMEM((V,), jnp.float32),
            pltpu.VMEM((B,), jnp.int32),
            pltpu.VMEM((C,), jnp.float32),
            pltpu.VMEM((C,), jnp.float32),
            pltpu.SemaphoreType.DMA,
            pltpu.SemaphoreType.DMA,
            pltpu.SemaphoreType.DMA,
            pltpu.SemaphoreType.DMA,
        ],
    )
    def lookup(idx_hbm, table_hbm, out_hbm, row_v, idx_v, ob0, ob1, rsem,
               isem, ws0, ws1):
        wid = lax.axis_index("s") * NC + lax.axis_index("c")
        obufs = (ob0, ob1)
        wsems = (ws0, ws1)

        pltpu.async_copy(idx_hbm, idx_v, isem)
        idx_waited = False

        for r in range(rows_per_w):
            d = wid * rows_per_w + r
            pltpu.async_copy(table_hbm.at[d], row_v, rsem)
            pltpu.make_async_copy(table_hbm.at[d], row_v, rsem).wait()
            if not idx_waited:
                pltpu.make_async_copy(idx_hbm, idx_v, isem).wait()
                idx_waited = True
            for c in range(n_chunks):
                buf = obufs[c % 2]
                sem = wsems[c % 2]
                if r > 0 or c >= 2:
                    pltpu.make_async_copy(
                        out_hbm.at[d, pl.ds(c * C, C)], buf, sem
                    ).wait()

                @plsc.parallel_loop(0, C // L, unroll=8)
                def gather16(k):
                    sl = pl.ds(k * L, L)
                    iv = idx_v[pl.ds(c * C + k * L, L)]
                    buf[sl] = plsc.load_gather(row_v, [iv]) * _SCALE

                pltpu.async_copy(
                    buf, out_hbm.at[d, pl.ds(c * C, C)], sem
                )
        pltpu.make_async_copy(out_hbm.at[0, pl.ds(0, C)], ob0, ws0).wait()
        pltpu.make_async_copy(out_hbm.at[0, pl.ds(0, C)], ob1, ws1).wait()

    return lookup


def kernel(x, weight):
    (B,) = x.shape
    V, D = weight.shape
    fn = _make_sc_lookup(B, V, D)
    outT = fn(x.astype(jnp.int32), weight.T)
    return outT.T

# --- scband reference (transcript-rebuilt; emitter-appended) ---
"""Pipeline reference for scband-scaled-embedding-27599459844555 (READ-ONLY COPY).

The authoritative reference and input builder live on the scoring server;
editing this copy changes nothing except your own understanding.
"""

import jax, jax.numpy as jnp
import numpy as np

NUM_EMBEDDINGS = 100000
EMBEDDING_DIM = 64
SCALE = 10.0
BATCH = 16384

def setup_inputs(seed: int = 0) -> dict:
    key = jax.random.key(seed)
    k_idx, k_w = jax.random.split(key)
    x = jax.random.randint(k_idx, (BATCH,), 0, NUM_EMBEDDINGS, dtype=jnp.int64 if jax.config.jax_enable_x64 else jnp.int32)
    # nn.Embedding default init is N(0,1); module divides by scale at init
    weight = jax.random.normal(k_w, (NUM_EMBEDDINGS, EMBEDDING_DIM), dtype=jnp.float32) / SCALE
    return {"x": x, "weight": weight}

def reference(x, weight):
    # forward: embedding lookup then multiply by scale
    return jnp.take(weight, x, axis=0) * SCALE

if __name__ == "__main__":
    import jax
    _d = setup_inputs()
    print(jax.jit(kernel)(*tuple(_d.values())))

</pallas_src>

<mosaic_0001>
#map = affine_map<(d0, d1) -> (0)>
#map1 = affine_map<(d0, d1) -> (0, 0)>
module attributes {stable_mosaic.version = 14 : i64} {
  func.func @lookup(%arg0: i32, %arg1: i32, %arg2: memref<16384xi32, #tpu.memory_space<hbm>>, %arg3: memref<64x100000xf32, #tpu.memory_space<hbm>>, %arg4: memref<64x16384xf32, #tpu.memory_space<hbm>>, %arg5: memref<100000xf32, #tpu.memory_space<vmem>>, %arg6: memref<16384xi32, #tpu.memory_space<vmem>>, %arg7: memref<4096xf32, #tpu.memory_space<vmem>>, %arg8: memref<4096xf32, #tpu.memory_space<vmem>>, %arg9: memref<!tpu.dma_semaphore, #tpu.memory_space<semaphore_mem>>, %arg10: memref<!tpu.dma_semaphore, #tpu.memory_space<semaphore_mem>>, %arg11: memref<!tpu.dma_semaphore, #tpu.memory_space<semaphore_mem>>, %arg12: memref<!tpu.dma_semaphore, #tpu.memory_space<semaphore_mem>>) attributes {dimension_semantics = [#tpu.dimension_semantics<core_parallel>, #tpu.dimension_semantics<subcore_parallel>], iteration_bounds = array<i64: 2, 16>, scalar_prefetch = 0 : i64, scratch_operands = 8 : i64, tpu.core_type = #tpu.core_type<sc_vector_subcore>, window_params = [{transform_indices = #map}, {transform_indices = #map1}, {transform_indices = #map1}]} {
    %mul3A = arith.constant 2 : i32
    %mul3A_0 = arith.muli %arg1, %mul3A : i32
    %add3A = arith.addi %mul3A_0, %arg0 : i32
    tpu.enqueue_dma source(%arg2 : memref<16384xi32, #tpu.memory_space<hbm>>) target(%arg6 : memref<16384xi32, #tpu.memory_space<vmem>>) target_semaphore(%arg10 : memref<!tpu.dma_semaphore, #tpu.memory_space<semaphore_mem>>)
    %mul3A_1 = arith.constant 2 : i32
    %mul3A_2 = arith.muli %add3A, %mul3A_1 : i32
    %add3A_3 = arith.constant 0 : i32
    %add3A_4 = arith.addi %mul3A_2, %add3A_3 : i32
    %dma_start3A = arith.constant 0 : i32
    %dma_start3A_5 = tpu.memref_slice %arg3[%add3A_4, %dma_start3A] : memref<64x100000xf32, #tpu.memory_space<hbm>> -> memref<1x100000xf32, #tpu.memory_space<hbm>>
    %dma_start3A_6 = tpu.memref_squeeze %dma_start3A_5 : memref<1x100000xf32, #tpu.memory_space<hbm>> -> memref<100000xf32, #tpu.memory_space<hbm>>
    %dma_start3A_7 = arith.constant 0 : i32
    %dma_start3A_8 = tpu.memref_slice %arg3[%add3A_4, %dma_start3A_7] : memref<64x100000xf32, #tpu.memory_space<hbm>> -> memref<1x100000xf32, #tpu.memory_space<hbm>>
    %dma_start3A_9 = tpu.memref_squeeze %dma_start3A_8 : memref<1x100000xf32, #tpu.memory_space<hbm>> -> memref<100000xf32, #tpu.memory_space<hbm>>
    tpu.enqueue_dma source(%dma_start3A_9 : memref<100000xf32, #tpu.memory_space<hbm>>) target(%arg5 : memref<100000xf32, #tpu.memory_space<vmem>>) target_semaphore(%arg9 : memref<!tpu.dma_semaphore, #tpu.memory_space<semaphore_mem>>)
    %dma_wait3A = arith.constant 0 : i32
    %dma_wait3A_10 = tpu.memref_slice %arg3[%add3A_4, %dma_wait3A] : memref<64x100000xf32, #tpu.memory_space<hbm>> -> memref<1x100000xf32, #tpu.memory_space<hbm>>
    %dma_wait3A_11 = tpu.memref_squeeze %dma_wait3A_10 : memref<1x100000xf32, #tpu.memory_space<hbm>> -> memref<100000xf32, #tpu.memory_space<hbm>>
    %dma_wait3A_12 = arith.constant 0 : i32
    %dma_wait3A_13 = tpu.memref_slice %arg3[%add3A_4, %dma_wait3A_12] : memref<64x100000xf32, #tpu.memory_space<hbm>> -> memref<1x100000xf32, #tpu.memory_space<hbm>>
    %dma_wait3A_14 = tpu.memref_squeeze %dma_wait3A_13 : memref<1x100000xf32, #tpu.memory_space<hbm>> -> memref<100000xf32, #tpu.memory_space<hbm>>
    tpu.wait_dma2 semaphore(%arg9 : memref<!tpu.dma_semaphore, #tpu.memory_space<semaphore_mem>>) src(%dma_wait3A_14 : memref<100000xf32, #tpu.memory_space<hbm>>) dst(%arg5 : memref<100000xf32, #tpu.memory_space<vmem>>)
    tpu.wait_dma2 semaphore(%arg10 : memref<!tpu.dma_semaphore, #tpu.memory_space<semaphore_mem>>) src(%arg2 : memref<16384xi32, #tpu.memory_space<hbm>>) dst(%arg6 : memref<16384xi32, #tpu.memory_space<vmem>>)
    %parallel_loop3A = arith.constant 0 : i32
    %parallel_loop3A_15 = arith.constant 256 : i32
    %parallel_loop3A_16 = arith.constant 1 : i32
    scf.for %parallel_loop3A_152 = %parallel_loop3A to %parallel_loop3A_15 step %parallel_loop3A_16  : i32 {
      %parallel_loop3A_153 = arith.constant 16 : i32
      %parallel_loop3A_154 = arith.muli %parallel_loop3A_152, %parallel_loop3A_153 : i32
      %parallel_loop3A_155 = arith.constant 16 : i32
      %parallel_loop3A_156 = arith.muli %parallel_loop3A_152, %parallel_loop3A_155 : i32
      %parallel_loop3A_157 = arith.constant 0 : i32
      %parallel_loop3A_158 = arith.addi %parallel_loop3A_157, %parallel_loop3A_156 : i32
      %parallel_loop3A_159 = arith.index_cast %parallel_loop3A_158 : i32 to index
      %parallel_loop3A_160 = tpu.vector_load %arg6[%parallel_loop3A_159] {strides = array<i32>} : memref<16384xi32, #tpu.memory_space<vmem>>, vector<16xi32>,
      %parallel_loop3A_161 = tpu.vector_load_idx %arg5[%parallel_loop3A_160] : memref<100000xf32, #tpu.memory_space<vmem>>[vector<16xi32>], vector<16xf32>,
      %parallel_loop3A_162 = arith.constant 1.000000e+01 : f32
      %parallel_loop3A_163 = vector.broadcast %parallel_loop3A_162 : f32 to vector<16xf32>
      %parallel_loop3A_164 = arith.mulf %parallel_loop3A_161, %parallel_loop3A_163 : vector<16xf32>
      %parallel_loop3A_165 = arith.index_cast %parallel_loop3A_154 : i32 to index
      %parallel_loop3A_166 = tpu.vector_load %arg7[%parallel_loop3A_165] {strides = array<i32>} : memref<4096xf32, #tpu.memory_space<vmem>>, vector<16xf32>,
      tpu.vector_store %arg7[%parallel_loop3A_165], %parallel_loop3A_164 {strides = array<i32>} : memref<4096xf32, #tpu.memory_space<vmem>>, vector<16xf32>,
    } {sc.loop_unroll_factor = 8 : i64, sc.parallel_access}
    %dma_start3A_17 = arith.constant 0 : i32
    %dma_start3A_18 = tpu.memref_slice %arg4[%add3A_4, %dma_start3A_17] : memref<64x16384xf32, #tpu.memory_space<hbm>> -> memref<1x4096xf32, #tpu.memory_space<hbm>>
    %dma_start3A_19 = tpu.memref_squeeze %dma_start3A_18 : memref<1x4096xf32, #tpu.memory_space<hbm>> -> memref<4096xf32, #tpu.memory_space<hbm>>
    %dma_start3A_20 = arith.constant 0 : i32
    %dma_start3A_21 = tpu.memref_slice %arg4[%add3A_4, %dma_start3A_20] : memref<64x16384xf32, #tpu.memory_space<hbm>> -> memref<1x4096xf32, #tpu.memory_space<hbm>>
    %dma_start3A_22 = tpu.memref_squeeze %dma_start3A_21 : memref<1x4096xf32, #tpu.memory_space<hbm>> -> memref<4096xf32, #tpu.memory_space<hbm>>
    tpu.enqueue_dma source(%arg7 : memref<4096xf32, #tpu.memory_space<vmem>>) target(%dma_start3A_22 : memref<4096xf32, #tpu.memory_space<hbm>>) target_semaphore(%arg11 : memref<!tpu.dma_semaphore, #tpu.memory_space<semaphore_mem>>)
    %parallel_loop3A_23 = arith.constant 0 : i32
    %parallel_loop3A_24 = arith.constant 256 : i32
    %parallel_loop3A_25 = arith.constant 1 : i32
    scf.for %parallel_loop3A_152 = %parallel_loop3A_23 to %parallel_loop3A_24 step %parallel_loop3A_25  : i32 {
      %parallel_loop3A_153 = arith.constant 16 : i32
      %parallel_loop3A_154 = arith.muli %parallel_loop3A_152, %parallel_loop3A_153 : i32
      %parallel_loop3A_155 = arith.constant 16 : i32
      %parallel_loop3A_156 = arith.muli %parallel_loop3A_152, %parallel_loop3A_155 : i32
      %parallel_loop3A_157 = arith.constant 4096 : i32
      %parallel_loop3A_158 = arith.addi %parallel_loop3A_157, %parallel_loop3A_156 : i32
      %parallel_loop3A_159 = arith.index_cast %parallel_loop3A_158 : i32 to index
      %parallel_loop3A_160 = tpu.vector_load %arg6[%parallel_loop3A_159] {strides = array<i32>} : memref<16384xi32, #tpu.memory_space<vmem>>, vector<16xi32>,
      %parallel_loop3A_161 = tpu.vector_load_idx %arg5[%parallel_loop3A_160] : memref<100000xf32, #tpu.memory_space<vmem>>[vector<16xi32>], vector<16xf32>,
      %parallel_loop3A_162 = arith.constant 1.000000e+01 : f32
      %parallel_loop3A_163 = vector.broadcast %parallel_loop3A_162 : f32 to vector<16xf32>
      %parallel_loop3A_164 = arith.mulf %parallel_loop3A_161, %parallel_loop3A_163 : vector<16xf32>
      %parallel_loop3A_165 = arith.index_cast %parallel_loop3A_154 : i32 to index
      %parallel_loop3A_166 = tpu.vector_load %arg8[%parallel_loop3A_165] {strides = array<i32>} : memref<4096xf32, #tpu.memory_space<vmem>>, vector<16xf32>,
      tpu.vector_store %arg8[%parallel_loop3A_165], %parallel_loop3A_164 {strides = array<i32>} : memref<4096xf32, #tpu.memory_space<vmem>>, vector<16xf32>,
    } {sc.loop_unroll_factor = 8 : i64, sc.parallel_access}
    %dma_start3A_26 = arith.constant 4096 : i32
    %dma_start3A_27 = tpu.memref_slice %arg4[%add3A_4, %dma_start3A_26] : memref<64x16384xf32, #tpu.memory_space<hbm>> -> memref<1x4096xf32, #tpu.memory_space<hbm>>
    %dma_start3A_28 = tpu.memref_squeeze %dma_start3A_27 : memref<1x4096xf32, #tpu.memory_space<hbm>> -> memref<4096xf32, #tpu.memory_space<hbm>>
    %dma_start3A_29 = arith.constant 4096 : i32
    %dma_start3A_30 = tpu.memref_slice %arg4[%add3A_4, %dma_start3A_29] : memref<64x16384xf32, #tpu.memory_space<hbm>> -> memref<1x4096xf32, #tpu.memory_space<hbm>>
    %dma_start3A_31 = tpu.memref_squeeze %dma_start3A_30 : memref<1x4096xf32, #tpu.memory_space<hbm>> -> memref<4096xf32, #tpu.memory_space<hbm>>
    tpu.enqueue_dma source(%arg8 : memref<4096xf32, #tpu.memory_space<vmem>>) target(%dma_start3A_31 : memref<4096xf32, #tpu.memory_space<hbm>>) target_semaphore(%arg12 : memref<!tpu.dma_semaphore, #tpu.memory_space<semaphore_mem>>)
    %dma_wait3A_32 = arith.constant 8192 : i32
    %dma_wait3A_33 = tpu.memref_slice %arg4[%add3A_4, %dma_wait3A_32] : memref<64x16384xf32, #tpu.memory_space<hbm>> -> memref<1x4096xf32, #tpu.memory_space<hbm>>
    %dma_wait3A_34 = tpu.memref_squeeze %dma_wait3A_33 : memref<1x4096xf32, #tpu.memory_space<hbm>> -> memref<4096xf32, #tpu.memory_space<hbm>>
    %dma_wait3A_35 = arith.constant 8192 : i32
    %dma_wait3A_36 = tpu.memref_slice %arg4[%add3A_4, %dma_wait3A_35] : memref<64x16384xf32, #tpu.memory_space<hbm>> -> memref<1x4096xf32, #tpu.memory_space<hbm>>
    %dma_wait3A_37 = tpu.memref_squeeze %dma_wait3A_36 : memref<1x4096xf32, #tpu.memory_space<hbm>> -> memref<4096xf32, #tpu.memory_space<hbm>>
    tpu.wait_dma2 semaphore(%arg11 : memref<!tpu.dma_semaphore, #tpu.memory_space<semaphore_mem>>) src(%dma_wait3A_37 : memref<4096xf32, #tpu.memory_space<hbm>>) dst(%arg7 : memref<4096xf32, #tpu.memory_space<vmem>>)
    %parallel_loop3A_38 = arith.constant 0 : i32
    %parallel_loop3A_39 = arith.constant 256 : i32
    %parallel_loop3A_40 = arith.constant 1 : i32
    scf.for %parallel_loop3A_152 = %parallel_loop3A_38 to %parallel_loop3A_39 step %parallel_loop3A_40  : i32 {
      %parallel_loop3A_153 = arith.constant 16 : i32
      %parallel_loop3A_154 = arith.muli %parallel_loop3A_152, %parallel_loop3A_153 : i32
      %parallel_loop3A_155 = arith.constant 16 : i32
      %parallel_loop3A_156 = arith.muli %parallel_loop3A_152, %parallel_loop3A_155 : i32
      %parallel_loop3A_157 = arith.constant 8192 : i32
      %parallel_loop3A_158 = arith.addi %parallel_loop3A_157, %parallel_loop3A_156 : i32
      %parallel_loop3A_159 = arith.index_cast %parallel_loop3A_158 : i32 to index
      %parallel_loop3A_160 = tpu.vector_load %arg6[%parallel_loop3A_159] {strides = array<i32>} : memref<16384xi32, #tpu.memory_space<vmem>>, vector<16xi32>,
      %parallel_loop3A_161 = tpu.vector_load_idx %arg5[%parallel_loop3A_160] : memref<100000xf32, #tpu.memory_space<vmem>>[vector<16xi32>], vector<16xf32>,
      %parallel_loop3A_162 = arith.constant 1.000000e+01 : f32
      %parallel_loop3A_163 = vector.broadcast %parallel_loop3A_162 : f32 to vector<16xf32>
      %parallel_loop3A_164 = arith.mulf %parallel_loop3A_161, %parallel_loop3A_163 : vector<16xf32>
      %parallel_loop3A_165 = arith.index_cast %parallel_loop3A_154 : i32 to index
      %parallel_loop3A_166 = tpu.vector_load %arg7[%parallel_loop3A_165] {strides = array<i32>} : memref<4096xf32, #tpu.memory_space<vmem>>, vector<16xf32>,
      tpu.vector_store %arg7[%parallel_loop3A_165], %parallel_loop3A_164 {strides = array<i32>} : memref<4096xf32, #tpu.memory_space<vmem>>, vector<16xf32>,
    } {sc.loop_unroll_factor = 8 : i64, sc.parallel_access}
    %dma_start3A_41 = arith.constant 8192 : i32
    %dma_start3A_42 = tpu.memref_slice %arg4[%add3A_4, %dma_start3A_41] : memref<64x16384xf32, #tpu.memory_space<hbm>> -> memref<1x4096xf32, #tpu.memory_space<hbm>>
    %dma_start3A_43 = tpu.memref_squeeze %dma_start3A_42 : memref<1x4096xf32, #tpu.memory_space<hbm>> -> memref<4096xf32, #tpu.memory_space<hbm>>
    %dma_start3A_44 = arith.constant 8192 : i32
    %dma_start3A_45 = tpu.memref_slice %arg4[%add3A_4, %dma_start3A_44] : memref<64x16384xf32, #tpu.memory_space<hbm>> -> memref<1x4096xf32, #tpu.memory_space<hbm>>
    %dma_start3A_46 = tpu.memref_squeeze %dma_start3A_45 : memref<1x4096xf32, #tpu.memory_space<hbm>> -> memref<4096xf32, #tpu.memory_space<hbm>>
    tpu.enqueue_dma source(%arg7 : memref<4096xf32, #tpu.memory_space<vmem>>) target(%dma_start3A_46 : memref<4096xf32, #tpu.memory_space<hbm>>) target_semaphore(%arg11 : memref<!tpu.dma_semaphore, #tpu.memory_space<semaphore_mem>>)
    %dma_wait3A_47 = arith.constant 12288 : i32
    %dma_wait3A_48 = tpu.memref_slice %arg4[%add3A_4, %dma_wait3A_47] : memref<64x16384xf32, #tpu.memory_space<hbm>> -> memref<1x4096xf32, #tpu.memory_space<hbm>>
    %dma_wait3A_49 = tpu.memref_squeeze %dma_wait3A_48 : memref<1x4096xf32, #tpu.memory_space<hbm>> -> memref<4096xf32, #tpu.memory_space<hbm>>
    %dma_wait3A_50 = arith.constant 12288 : i32
    %dma_wait3A_51 = tpu.memref_slice %arg4[%add3A_4, %dma_wait3A_50] : memref<64x16384xf32, #tpu.memory_space<hbm>> -> memref<1x4096xf32, #tpu.memory_space<hbm>>
    %dma_wait3A_52 = tpu.memref_squeeze %dma_wait3A_51 : memref<1x4096xf32, #tpu.memory_space<hbm>> -> memref<4096xf32, #tpu.memory_space<hbm>>
    tpu.wait_dma2 semaphore(%arg12 : memref<!tpu.dma_semaphore, #tpu.memory_space<semaphore_mem>>) src(%dma_wait3A_52 : memref<4096xf32, #tpu.memory_space<hbm>>) dst(%arg8 : memref<4096xf32, #tpu.memory_space<vmem>>)
    %parallel_loop3A_53 = arith.constant 0 : i32
    %parallel_loop3A_54 = arith.constant 256 : i32
    %parallel_loop3A_55 = arith.constant 1 : i32
    scf.for %parallel_loop3A_152 = %parallel_loop3A_53 to %parallel_loop3A_54 step %parallel_loop3A_55  : i32 {
      %parallel_loop3A_153 = arith.constant 16 : i32
      %parallel_loop3A_154 = arith.muli %parallel_loop3A_152, %parallel_loop3A_153 : i32
      %parallel_loop3A_155 = arith.constant 16 : i32
      %parallel_loop3A_156 = arith.muli %parallel_loop3A_152, %parallel_loop3A_155 : i32
      %parallel_loop3A_157 = arith.constant 12288 : i32
      %parallel_loop3A_158 = arith.addi %parallel_loop3A_157, %parallel_loop3A_156 : i32
      %parallel_loop3A_159 = arith.index_cast %parallel_loop3A_158 : i32 to index
      %parallel_loop3A_160 = tpu.vector_load %arg6[%parallel_loop3A_159] {strides = array<i32>} : memref<16384xi32, #tpu.memory_space<vmem>>, vector<16xi32>,
      %parallel_loop3A_161 = tpu.vector_load_idx %arg5[%parallel_loop3A_160] : memref<100000xf32, #tpu.memory_space<vmem>>[vector<16xi32>], vector<16xf32>,
      %parallel_loop3A_162 = arith.constant 1.000000e+01 : f32
      %parallel_loop3A_163 = vector.broadcast %parallel_loop3A_162 : f32 to vector<16xf32>
      %parallel_loop3A_164 = arith.mulf %parallel_loop3A_161, %parallel_loop3A_163 : vector<16xf32>
      %parallel_loop3A_165 = arith.index_cast %parallel_loop3A_154 : i32 to index
      %parallel_loop3A_166 = tpu.vector_load %arg8[%parallel_loop3A_165] {strides = array<i32>} : memref<4096xf32, #tpu.memory_space<vmem>>, vector<16xf32>,
      tpu.vector_store %arg8[%parallel_loop3A_165], %parallel_loop3A_164 {strides = array<i32>} : memref<4096xf32, #tpu.memory_space<vmem>>, vector<16xf32>,
    } {sc.loop_unroll_factor = 8 : i64, sc.parallel_access}
    %dma_start3A_56 = arith.constant 12288 : i32
    %dma_start3A_57 = tpu.memref_slice %arg4[%add3A_4, %dma_start3A_56] : memref<64x16384xf32, #tpu.memory_space<hbm>> -> memref<1x4096xf32, #tpu.memory_space<hbm>>
    %dma_start3A_58 = tpu.memref_squeeze %dma_start3A_57 : memref<1x4096xf32, #tpu.memory_space<hbm>> -> memref<4096xf32, #tpu.memory_space<hbm>>
    %dma_start3A_59 = arith.constant 12288 : i32
    %dma_start3A_60 = tpu.memref_slice %arg4[%add3A_4, %dma_start3A_59] : memref<64x16384xf32, #tpu.memory_space<hbm>> -> memref<1x4096xf32, #tpu.memory_space<hbm>>
    %dma_start3A_61 = tpu.memref_squeeze %dma_start3A_60 : memref<1x4096xf32, #tpu.memory_space<hbm>> -> memref<4096xf32, #tpu.memory_space<hbm>>
    tpu.enqueue_dma source(%arg8 : memref<4096xf32, #tpu.memory_space<vmem>>) target(%dma_start3A_61 : memref<4096xf32, #tpu.memory_space<hbm>>) target_semaphore(%arg12 : memref<!tpu.dma_semaphore, #tpu.memory_space<semaphore_mem>>)
    %mul3A_62 = arith.constant 2 : i32
    %mul3A_63 = arith.muli %add3A, %mul3A_62 : i32
    %add3A_64 = arith.constant 1 : i32
    %add3A_65 = arith.addi %mul3A_63, %add3A_64 : i32
    %dma_start3A_66 = arith.constant 0 : i32
    %dma_start3A_67 = tpu.memref_slice %arg3[%add3A_65, %dma_start3A_66] : memref<64x100000xf32, #tpu.memory_space<hbm>> -> memref<1x100000xf32, #tpu.memory_space<hbm>>
    %dma_start3A_68 = tpu.memref_squeeze %dma_start3A_67 : memref<1x100000xf32, #tpu.memory_space<hbm>> -> memref<100000xf32, #tpu.memory_space<hbm>>
    %dma_start3A_69 = arith.constant 0 : i32
    %dma_start3A_70 = tpu.memref_slice %arg3[%add3A_65, %dma_start3A_69] : memref<64x100000xf32, #tpu.memory_space<hbm>> -> memref<1x100000xf32, #tpu.memory_space<hbm>>
    %dma_start3A_71 = tpu.memref_squeeze %dma_start3A_70 : memref<1x100000xf32, #tpu.memory_space<hbm>> -> memref<100000xf32, #tpu.memory_space<hbm>>
    tpu.enqueue_dma source(%dma_start3A_71 : memref<100000xf32, #tpu.memory_space<hbm>>) target(%arg5 : memref<100000xf32, #tpu.memory_space<vmem>>) target_semaphore(%arg9 : memref<!tpu.dma_semaphore, #tpu.memory_space<semaphore_mem>>)
    %dma_wait3A_72 = arith.constant 0 : i32
    %dma_wait3A_73 = tpu.memref_slice %arg3[%add3A_65, %dma_wait3A_72] : memref<64x100000xf32, #tpu.memory_space<hbm>> -> memref<1x100000xf32, #tpu.memory_space<hbm>>
    %dma_wait3A_74 = tpu.memref_squeeze %dma_wait3A_73 : memref<1x100000xf32, #tpu.memory_space<hbm>> -> memref<100000xf32, #tpu.memory_space<hbm>>
    %dma_wait3A_75 = arith.constant 0 : i32
    %dma_wait3A_76 = tpu.memref_slice %arg3[%add3A_65, %dma_wait3A_75] : memref<64x100000xf32, #tpu.memory_space<hbm>> -> memref<1x100000xf32, #tpu.memory_space<hbm>>
    %dma_wait3A_77 = tpu.memref_squeeze %dma_wait3A_76 : memref<1x100000xf32, #tpu.memory_space<hbm>> -> memref<100000xf32, #tpu.memory_space<hbm>>
    tpu.wait_dma2 semaphore(%arg9 : memref<!tpu.dma_semaphore, #tpu.memory_space<semaphore_mem>>) src(%dma_wait3A_77 : memref<100000xf32, #tpu.memory_space<hbm>>) dst(%arg5 : memref<100000xf32, #tpu.memory_space<vmem>>)
    %dma_wait3A_78 = arith.constant 0 : i32
    %dma_wait3A_79 = tpu.memref_slice %arg4[%add3A_65, %dma_wait3A_78] : memref<64x16384xf32, #tpu.memory_space<hbm>> -> memref<1x4096xf32, #tpu.memory_space<hbm>>
    %dma_wait3A_80 = tpu.memref_squeeze %dma_wait3A_79 : memref<1x4096xf32, #tpu.memory_space<hbm>> -> memref<4096xf32, #tpu.memory_space<hbm>>
    %dma_wait3A_81 = arith.constant 0 : i32
    %dma_wait3A_82 = tpu.memref_slice %arg4[%add3A_65, %dma_wait3A_81] : memref<64x16384xf32, #tpu.memory_space<hbm>> -> memref<1x4096xf32, #tpu.memory_space<hbm>>
    %dma_wait3A_83 = tpu.memref_squeeze %dma_wait3A_82 : memref<1x4096xf32, #tpu.memory_space<hbm>> -> memref<4096xf32, #tpu.memory_space<hbm>>
    tpu.wait_dma2 semaphore(%arg11 : memref<!tpu.dma_semaphore, #tpu.memory_space<semaphore_mem>>) src(%dma_wait3A_83 : memref<4096xf32, #tpu.memory_space<hbm>>) dst(%arg7 : memref<4096xf32, #tpu.memory_space<vmem>>)
    %parallel_loop3A_84 = arith.constant 0 : i32
    %parallel_loop3A_85 = arith.constant 256 : i32
    %parallel_loop3A_86 = arith.constant 1 : i32
    scf.for %parallel_loop3A_152 = %parallel_loop3A_84 to %parallel_loop3A_85 step %parallel_loop3A_86  : i32 {
      %parallel_loop3A_153 = arith.constant 16 : i32
      %parallel_loop3A_154 = arith.muli %parallel_loop3A_152, %parallel_loop3A_153 : i32
      %parallel_loop3A_155 = arith.constant 16 : i32
      %parallel_loop3A_156 = arith.muli %parallel_loop3A_152, %parallel_loop3A_155 : i32
      %parallel_loop3A_157 = arith.constant 0 : i32
      %parallel_loop3A_158 = arith.addi %parallel_loop3A_157, %parallel_loop3A_156 : i32
      %parallel_loop3A_159 = arith.index_cast %parallel_loop3A_158 : i32 to index
      %parallel_loop3A_160 = tpu.vector_load %arg6[%parallel_loop3A_159] {strides = array<i32>} : memref<16384xi32, #tpu.memory_space<vmem>>, vector<16xi32>,
      %parallel_loop3A_161 = tpu.vector_load_idx %arg5[%parallel_loop3A_160] : memref<100000xf32, #tpu.memory_space<vmem>>[vector<16xi32>], vector<16xf32>,
      %parallel_loop3A_162 = arith.constant 1.000000e+01 : f32
      %parallel_loop3A_163 = vector.broadcast %parallel_loop3A_162 : f32 to vector<16xf32>
      %parallel_loop3A_164 = arith.mulf %parallel_loop3A_161, %parallel_loop3A_163 : vector<16xf32>
      %parallel_loop3A_165 = arith.index_cast %parallel_loop3A_154 : i32 to index
      %parallel_loop3A_166 = tpu.vector_load %arg7[%parallel_loop3A_165] {strides = array<i32>} : memref<4096xf32, #tpu.memory_space<vmem>>, vector<16xf32>,
      tpu.vector_store %arg7[%parallel_loop3A_165], %parallel_loop3A_164 {strides = array<i32>} : memref<4096xf32, #tpu.memory_space<vmem>>, vector<16xf32>,
    } {sc.loop_unroll_factor = 8 : i64, sc.parallel_access}
    %dma_start3A_87 = arith.constant 0 : i32
    %dma_start3A_88 = tpu.memref_slice %arg4[%add3A_65, %dma_start3A_87] : memref<64x16384xf32, #tpu.memory_space<hbm>> -> memref<1x4096xf32, #tpu.memory_space<hbm>>
    %dma_start3A_89 = tpu.memref_squeeze %dma_start3A_88 : memref<1x4096xf32, #tpu.memory_space<hbm>> -> memref<4096xf32, #tpu.memory_space<hbm>>
    %dma_start3A_90 = arith.constant 0 : i32
    %dma_start3A_91 = tpu.memref_slice %arg4[%add3A_65, %dma_start3A_90] : memref<64x16384xf32, #tpu.memory_space<hbm>> -> memref<1x4096xf32, #tpu.memory_space<hbm>>
    %dma_start3A_92 = tpu.memref_squeeze %dma_start3A_91 : memref<1x4096xf32, #tpu.memory_space<hbm>> -> memref<4096xf32, #tpu.memory_space<hbm>>
    tpu.enqueue_dma source(%arg7 : memref<4096xf32, #tpu.memory_space<vmem>>) target(%dma_start3A_92 : memref<4096xf32, #tpu.memory_space<hbm>>) target_semaphore(%arg11 : memref<!tpu.dma_semaphore, #tpu.memory_space<semaphore_mem>>)
    %dma_wait3A_93 = arith.constant 4096 : i32
    %dma_wait3A_94 = tpu.memref_slice %arg4[%add3A_65, %dma_wait3A_93] : memref<64x16384xf32, #tpu.memory_space<hbm>> -> memref<1x4096xf32, #tpu.memory_space<hbm>>
    %dma_wait3A_95 = tpu.memref_squeeze %dma_wait3A_94 : memref<1x4096xf32, #tpu.memory_space<hbm>> -> memref<4096xf32, #tpu.memory_space<hbm>>
    %dma_wait3A_96 = arith.constant 4096 : i32
    %dma_wait3A_97 = tpu.memref_slice %arg4[%add3A_65, %dma_wait3A_96] : memref<64x16384xf32, #tpu.memory_space<hbm>> -> memref<1x4096xf32, #tpu.memory_space<hbm>>
    %dma_wait3A_98 = tpu.memref_squeeze %dma_wait3A_97 : memref<1x4096xf32, #tpu.memory_space<hbm>> -> memref<4096xf32, #tpu.memory_space<hbm>>
    tpu.wait_dma2 semaphore(%arg12 : memref<!tpu.dma_semaphore, #tpu.memory_space<semaphore_mem>>) src(%dma_wait3A_98 : memref<4096xf32, #tpu.memory_space<hbm>>) dst(%arg8 : memref<4096xf32, #tpu.memory_space<vmem>>)
    %parallel_loop3A_99 = arith.constant 0 : i32
    %parallel_loop3A_100 = arith.constant 256 : i32
    %parallel_loop3A_101 = arith.constant 1 : i32
    scf.for %parallel_loop3A_152 = %parallel_loop3A_99 to %parallel_loop3A_100 step %parallel_loop3A_101  : i32 {
      %parallel_loop3A_153 = arith.constant 16 : i32
      %parallel_loop3A_154 = arith.muli %parallel_loop3A_152, %parallel_loop3A_153 : i32
      %parallel_loop3A_155 = arith.constant 16 : i32
      %parallel_loop3A_156 = arith.muli %parallel_loop3A_152, %parallel_loop3A_155 : i32
      %parallel_loop3A_157 = arith.constant 4096 : i32
      %parallel_loop3A_158 = arith.addi %parallel_loop3A_157, %parallel_loop3A_156 : i32
      %parallel_loop3A_159 = arith.index_cast %parallel_loop3A_158 : i32 to index
      %parallel_loop3A_160 = tpu.vector_load %arg6[%parallel_loop3A_159] {strides = array<i32>} : memref<16384xi32, #tpu.memory_space<vmem>>, vector<16xi32>,
      %parallel_loop3A_161 = tpu.vector_load_idx %arg5[%parallel_loop3A_160] : memref<100000xf32, #tpu.memory_space<vmem>>[vector<16xi32>], vector<16xf32>,
      %parallel_loop3A_162 = arith.constant 1.000000e+01 : f32
      %parallel_loop3A_163 = vector.broadcast %parallel_loop3A_162 : f32 to vector<16xf32>
      %parallel_loop3A_164 = arith.mulf %parallel_loop3A_161, %parallel_loop3A_163 : vector<16xf32>
      %parallel_loop3A_165 = arith.index_cast %parallel_loop3A_154 : i32 to index
      %parallel_loop3A_166 = tpu.vector_load %arg8[%parallel_loop3A_165] {strides = array<i32>} : memref<4096xf32, #tpu.memory_space<vmem>>, vector<16xf32>,
      tpu.vector_store %arg8[%parallel_loop3A_165], %parallel_loop3A_164 {strides = array<i32>} : memref<4096xf32, #tpu.memory_space<vmem>>, vector<16xf32>,
    } {sc.loop_unroll_factor = 8 : i64, sc.parallel_access}
    %dma_start3A_102 = arith.constant 4096 : i32
    %dma_start3A_103 = tpu.memref_slice %arg4[%add3A_65, %dma_start3A_102] : memref<64x16384xf32, #tpu.memory_space<hbm>> -> memref<1x4096xf32, #tpu.memory_space<hbm>>
    %dma_start3A_104 = tpu.memref_squeeze %dma_start3A_103 : memref<1x4096xf32, #tpu.memory_space<hbm>> -> memref<4096xf32, #tpu.memory_space<hbm>>
    %dma_start3A_105 = arith.constant 4096 : i32
    %dma_start3A_106 = tpu.memref_slice %arg4[%add3A_65, %dma_start3A_105] : memref<64x16384xf32, #tpu.memory_space<hbm>> -> memref<1x4096xf32, #tpu.memory_space<hbm>>
    %dma_start3A_107 = tpu.memref_squeeze %dma_start3A_106 : memref<1x4096xf32, #tpu.memory_space<hbm>> -> memref<4096xf32, #tpu.memory_space<hbm>>
    tpu.enqueue_dma source(%arg8 : memref<4096xf32, #tpu.memory_space<vmem>>) target(%dma_start3A_107 : memref<4096xf32, #tpu.memory_space<hbm>>) target_semaphore(%arg12 : memref<!tpu.dma_semaphore, #tpu.memory_space<semaphore_mem>>)
    %dma_wait3A_108 = arith.constant 8192 : i32
    %dma_wait3A_109 = tpu.memref_slice %arg4[%add3A_65, %dma_wait3A_108] : memref<64x16384xf32, #tpu.memory_space<hbm>> -> memref<1x4096xf32, #tpu.memory_space<hbm>>
    %dma_wait3A_110 = tpu.memref_squeeze %dma_wait3A_109 : memref<1x4096xf32, #tpu.memory_space<hbm>> -> memref<4096xf32, #tpu.memory_space<hbm>>
    %dma_wait3A_111 = arith.constant 8192 : i32
    %dma_wait3A_112 = tpu.memref_slice %arg4[%add3A_65, %dma_wait3A_111] : memref<64x16384xf32, #tpu.memory_space<hbm>> -> memref<1x4096xf32, #tpu.memory_space<hbm>>
    %dma_wait3A_113 = tpu.memref_squeeze %dma_wait3A_112 : memref<1x4096xf32, #tpu.memory_space<hbm>> -> memref<4096xf32, #tpu.memory_space<hbm>>
    tpu.wait_dma2 semaphore(%arg11 : memref<!tpu.dma_semaphore, #tpu.memory_space<semaphore_mem>>) src(%dma_wait3A_113 : memref<4096xf32, #tpu.memory_space<hbm>>) dst(%arg7 : memref<4096xf32, #tpu.memory_space<vmem>>)
    %parallel_loop3A_114 = arith.constant 0 : i32
    %parallel_loop3A_115 = arith.constant 256 : i32
    %parallel_loop3A_116 = arith.constant 1 : i32
    scf.for %parallel_loop3A_152 = %parallel_loop3A_114 to %parallel_loop3A_115 step %parallel_loop3A_116  : i32 {
      %parallel_loop3A_153 = arith.constant 16 : i32
      %parallel_loop3A_154 = arith.muli %parallel_loop3A_152, %parallel_loop3A_153 : i32
      %parallel_loop3A_155 = arith.constant 16 : i32
      %parallel_loop3A_156 = arith.muli %parallel_loop3A_152, %parallel_loop3A_155 : i32
      %parallel_loop3A_157 = arith.constant 8192 : i32
      %parallel_loop3A_158 = arith.addi %parallel_loop3A_157, %parallel_loop3A_156 : i32
      %parallel_loop3A_159 = arith.index_cast %parallel_loop3A_158 : i32 to index
      %parallel_loop3A_160 = tpu.vector_load %arg6[%parallel_loop3A_159] {strides = array<i32>} : memref<16384xi32, #tpu.memory_space<vmem>>, vector<16xi32>,
      %parallel_loop3A_161 = tpu.vector_load_idx %arg5[%parallel_loop3A_160] : memref<100000xf32, #tpu.memory_space<vmem>>[vector<16xi32>], vector<16xf32>,
      %parallel_loop3A_162 = arith.constant 1.000000e+01 : f32
      %parallel_loop3A_163 = vector.broadcast %parallel_loop3A_162 : f32 to vector<16xf32>
      %parallel_loop3A_164 = arith.mulf %parallel_loop3A_161, %parallel_loop3A_163 : vector<16xf32>
      %parallel_loop3A_165 = arith.index_cast %parallel_loop3A_154 : i32 to index
      %parallel_loop3A_166 = tpu.vector_load %arg7[%parallel_loop3A_165] {strides = array<i32>} : memref<4096xf32, #tpu.memory_space<vmem>>, vector<16xf32>,
      tpu.vector_store %arg7[%parallel_loop3A_165], %parallel_loop3A_164 {strides = array<i32>} : memref<4096xf32, #tpu.memory_space<vmem>>, vector<16xf32>,
    } {sc.loop_unroll_factor = 8 : i64, sc.parallel_access}
    %dma_start3A_117 = arith.constant 8192 : i32
    %dma_start3A_118 = tpu.memref_slice %arg4[%add3A_65, %dma_start3A_117] : memref<64x16384xf32, #tpu.memory_space<hbm>> -> memref<1x4096xf32, #tpu.memory_space<hbm>>
    %dma_start3A_119 = tpu.memref_squeeze %dma_start3A_118 : memref<1x4096xf32, #tpu.memory_space<hbm>> -> memref<4096xf32, #tpu.memory_space<hbm>>
    %dma_start3A_120 = arith.constant 8192 : i32
    %dma_start3A_121 = tpu.memref_slice %arg4[%add3A_65, %dma_start3A_120] : memref<64x16384xf32, #tpu.memory_space<hbm>> -> memref<1x4096xf32, #tpu.memory_space<hbm>>
    %dma_start3A_122 = tpu.memref_squeeze %dma_start3A_121 : memref<1x4096xf32, #tpu.memory_space<hbm>> -> memref<4096xf32, #tpu.memory_space<hbm>>
    tpu.enqueue_dma source(%arg7 : memref<4096xf32, #tpu.memory_space<vmem>>) target(%dma_start3A_122 : memref<4096xf32, #tpu.memory_space<hbm>>) target_semaphore(%arg11 : memref<!tpu.dma_semaphore, #tpu.memory_space<semaphore_mem>>)
    %dma_wait3A_123 = arith.constant 12288 : i32
    %dma_wait3A_124 = tpu.memref_slice %arg4[%add3A_65, %dma_wait3A_123] : memref<64x16384xf32, #tpu.memory_space<hbm>> -> memref<1x4096xf32, #tpu.memory_space<hbm>>
    %dma_wait3A_125 = tpu.memref_squeeze %dma_wait3A_124 : memref<1x4096xf32, #tpu.memory_space<hbm>> -> memref<4096xf32, #tpu.memory_space<hbm>>
    %dma_wait3A_126 = arith.constant 12288 : i32
    %dma_wait3A_127 = tpu.memref_slice %arg4[%add3A_65, %dma_wait3A_126] : memref<64x16384xf32, #tpu.memory_space<hbm>> -> memref<1x4096xf32, #tpu.memory_space<hbm>>
    %dma_wait3A_128 = tpu.memref_squeeze %dma_wait3A_127 : memref<1x4096xf32, #tpu.memory_space<hbm>> -> memref<4096xf32, #tpu.memory_space<hbm>>
    tpu.wait_dma2 semaphore(%arg12 : memref<!tpu.dma_semaphore, #tpu.memory_space<semaphore_mem>>) src(%dma_wait3A_128 : memref<4096xf32, #tpu.memory_space<hbm>>) dst(%arg8 : memref<4096xf32, #tpu.memory_space<vmem>>)
    %parallel_loop3A_129 = arith.constant 0 : i32
    %parallel_loop3A_130 = arith.constant 256 : i32
    %parallel_loop3A_131 = arith.constant 1 : i32
    scf.for %parallel_loop3A_152 = %parallel_loop3A_129 to %parallel_loop3A_130 step %parallel_loop3A_131  : i32 {
      %parallel_loop3A_153 = arith.constant 16 : i32
      %parallel_loop3A_154 = arith.muli %parallel_loop3A_152, %parallel_loop3A_153 : i32
      %parallel_loop3A_155 = arith.constant 16 : i32
      %parallel_loop3A_156 = arith.muli %parallel_loop3A_152, %parallel_loop3A_155 : i32
      %parallel_loop3A_157 = arith.constant 12288 : i32
      %parallel_loop3A_158 = arith.addi %parallel_loop3A_157, %parallel_loop3A_156 : i32
      %parallel_loop3A_159 = arith.index_cast %parallel_loop3A_158 : i32 to index
      %parallel_loop3A_160 = tpu.vector_load %arg6[%parallel_loop3A_159] {strides = array<i32>} : memref<16384xi32, #tpu.memory_space<vmem>>, vector<16xi32>,
      %parallel_loop3A_161 = tpu.vector_load_idx %arg5[%parallel_loop3A_160] : memref<100000xf32, #tpu.memory_space<vmem>>[vector<16xi32>], vector<16xf32>,
      %parallel_loop3A_162 = arith.constant 1.000000e+01 : f32
      %parallel_loop3A_163 = vector.broadcast %parallel_loop3A_162 : f32 to vector<16xf32>
      %parallel_loop3A_164 = arith.mulf %parallel_loop3A_161, %parallel_loop3A_163 : vector<16xf32>
      %parallel_loop3A_165 = arith.index_cast %parallel_loop3A_154 : i32 to index
      %parallel_loop3A_166 = tpu.vector_load %arg8[%parallel_loop3A_165] {strides = array<i32>} : memref<4096xf32, #tpu.memory_space<vmem>>, vector<16xf32>,
      tpu.vector_store %arg8[%parallel_loop3A_165], %parallel_loop3A_164 {strides = array<i32>} : memref<4096xf32, #tpu.memory_space<vmem>>, vector<16xf32>,
    } {sc.loop_unroll_factor = 8 : i64, sc.parallel_access}
    %dma_start3A_132 = arith.constant 12288 : i32
    %dma_start3A_133 = tpu.memref_slice %arg4[%add3A_65, %dma_start3A_132] : memref<64x16384xf32, #tpu.memory_space<hbm>> -> memref<1x4096xf32, #tpu.memory_space<hbm>>
    %dma_start3A_134 = tpu.memref_squeeze %dma_start3A_133 : memref<1x4096xf32, #tpu.memory_space<hbm>> -> memref<4096xf32, #tpu.memory_space<hbm>>
    %dma_start3A_135 = arith.constant 12288 : i32
    %dma_start3A_136 = tpu.memref_slice %arg4[%add3A_65, %dma_start3A_135] : memref<64x16384xf32, #tpu.memory_space<hbm>> -> memref<1x4096xf32, #tpu.memory_space<hbm>>
    %dma_start3A_137 = tpu.memref_squeeze %dma_start3A_136 : memref<1x4096xf32, #tpu.memory_space<hbm>> -> memref<4096xf32, #tpu.memory_space<hbm>>
    tpu.enqueue_dma source(%arg8 : memref<4096xf32, #tpu.memory_space<vmem>>) target(%dma_start3A_137 : memref<4096xf32, #tpu.memory_space<hbm>>) target_semaphore(%arg12 : memref<!tpu.dma_semaphore, #tpu.memory_space<semaphore_mem>>)
    %dma_wait3A_138 = arith.constant 0 : i32
    %dma_wait3A_139 = arith.constant 0 : i32
    %dma_wait3A_140 = tpu.memref_slice %arg4[%dma_wait3A_138, %dma_wait3A_139] : memref<64x16384xf32, #tpu.memory_space<hbm>> -> memref<1x4096xf32, #tpu.memory_space<hbm>>
    %dma_wait3A_141 = tpu.memref_squeeze %dma_wait3A_140 : memref<1x4096xf32, #tpu.memory_space<hbm>> -> memref<4096xf32, #tpu.memory_space<hbm>>
    %dma_wait3A_142 = arith.constant 0 : i32
    %dma_wait3A_143 = tpu.memref_slice %arg4[%dma_wait3A_138, %dma_wait3A_142] : memref<64x16384xf32, #tpu.memory_space<hbm>> -> memref<1x4096xf32, #tpu.memory_space<hbm>>
    %dma_wait3A_144 = tpu.memref_squeeze %dma_wait3A_143 : memref<1x4096xf32, #tpu.memory_space<hbm>> -> memref<4096xf32, #tpu.memory_space<hbm>>
    tpu.wait_dma2 semaphore(%arg11 : memref<!tpu.dma_semaphore, #tpu.memory_space<semaphore_mem>>) src(%dma_wait3A_144 : memref<4096xf32, #tpu.memory_space<hbm>>) dst(%arg7 : memref<4096xf32, #tpu.memory_space<vmem>>)
    %dma_wait3A_145 = arith.constant 0 : i32
    %dma_wait3A_146 = arith.constant 0 : i32
    %dma_wait3A_147 = tpu.memref_slice %arg4[%dma_wait3A_145, %dma_wait3A_146] : memref<64x16384xf32, #tpu.memory_space<hbm>> -> memref<1x4096xf32, #tpu.memory_space<hbm>>
    %dma_wait3A_148 = tpu.memref_squeeze %dma_wait3A_147 : memref<1x4096xf32, #tpu.memory_space<hbm>> -> memref<4096xf32, #tpu.memory_space<hbm>>
    %dma_wait3A_149 = arith.constant 0 : i32
    %dma_wait3A_150 = tpu.memref_slice %arg4[%dma_wait3A_145, %dma_wait3A_149] : memref<64x16384xf32, #tpu.memory_space<hbm>> -> memref<1x4096xf32, #tpu.memory_space<hbm>>
    %dma_wait3A_151 = tpu.memref_squeeze %dma_wait3A_150 : memref<1x4096xf32, #tpu.memory_space<hbm>> -> memref<4096xf32, #tpu.memory_space<hbm>>
    tpu.wait_dma2 semaphore(%arg12 : memref<!tpu.dma_semaphore, #tpu.memory_space<semaphore_mem>>) src(%dma_wait3A_151 : memref<4096xf32, #tpu.memory_space<hbm>>) dst(%arg8 : memref<4096xf32, #tpu.memory_space<vmem>>)
    return
  }
}

</mosaic_0001>

<sc_bundles>
// kernel: kernel.3.cloned.1.call-start
scs
__scs_entry_jumppad:
0x0: {  	(pc) =	sbr.rel $0x88, $3  }
0x1: {  	(tag) =	ssettag $0x0;
	lr =	simm.s32 $0x1  }
0x2: {  	[smem:$0x3F9F] =	sst lr;
	_ =	strace $0xD0000000  }
0x3: {  	_ = 	snop  }
0x4: {  	_ = 	snop  }
0x5: {  	_ = 	snop  }
0x6: {  	_ = 	snop  }
0x7: {  	_ = 	snop  }
__scs_overlays_trampoline_lowered:
0x8: {  	[smem:$0x3FAE] =	sst s0  }
0x9: {  	[smem:$0x3FAF] =	sst s1  }
0xa: {  	[smem:$0x3FB0] =	sst s2  }
0xb: {  	[smem:$0x3FB1] =	sst s3  }
0xc: {  	[smem:$0x3FB2] =	sst s4  }
0xd: {  	[smem:$0x3FB3] =	sst s5  }
0xe: {  	[smem:$0x3FB4] =	sst s6  }
0xf: {  	[smem:$0x3FB5] =	sst s7  }
0x10: {  	[smem:$0x3FB6] =	sst s8  }
0x11: {  	[smem:$0x3FB7] =	sst s9;
	s0 =	simm.s32 @!p0 $0x0  }
0x12: {  	s1 =	sld [smem:$0x3F9D];
	s0 =	simm.s32 @p0 $0x1  }
0x13: {  	[smem:$0x3FB8] =	sst s0;
	s0 =	simm.s32 @!p1 $0x0  }
0x14: {  	s2 =	sld [smem:$0x3F9C];
	s0 =	simm.s32 @p1 $0x1  }
0x15: {  	[smem:$0x3FB9] =	sst s0;
	s0 =	simm.s32 @!p2 $0x0  }
0x16: {  	s3 =	sld [smem:$0x3FDB];
	s0 =	simm.s32 @p2 $0x1  }
0x17: {  	s4 =	simm.s32 $0x1BF5;
	[smem:$0x3FBB] =	sst s0  }
0x18: {  	s0 =	sld [smem:$0x3F9E];
	_ =	swait.ge [sflag:s4], $0x0  }
0x19: {  	s7 =	sld [smem:$0x3F9F]  }
0x1a: {  	s8 =	sadd.s32 $0xFFFFE003, lr  }
0x1b: {  	s9 =	sadd.s32 $0xFFFFFEF7, lr;
	s5 =	simm.s32 $0xFFFFFFFF;
	p2 =	slt.u32 s8, $0xFFFFF086  }
0x1c: {  	p1 =	slt.u32 s9, $0xF7A;
	s5 =	simm.s32 @!p2 $0x0  }
0x1d: {  	s5 =	simm.s32 @p1 $0x1;
	p0 =	seq.s32 s7, s2  }
0x1e: {  	s7 =	smul.u32 @!p0 $0xF7A, s2;
	p2 =	seq.s32 @!p0 s5, $0x0  }
0x1f: {  	s9 =	smul.u32 $0xF7A, s1;
	s8 =	simm.s32 @!p0 $0x1BF5;
	p2 =	por !p2, p0  }
0x20: {  	[sflag:s8] =	ssyncset.s32 @!p0 $0xFFFFF086;
	s6 =	sadd.s32 @!p0 s3, s7;
	s7 =	simm.s32 @!p0 $0x108  }
0x21: {  	s3 =	sadd.s32 s3, s9;
	s6 =	sadd.s32 @!p0 $0x88, s6;
	s7 =	simm.s32 @p2 $0x1082  }
0x22: {  	[simem:s7], [sflag:s8] =	dma.local @!p0 [hbm:s6], $0xF7A  }
0x23: {  	s9 =	sor.u32 $0xD0000000, s2;
	s6 =	simm.s32 $0x108;
	_ =	swait.ge @!p0 [sflag:s8], $0x0  }
0x24: {  	s3 =	sadd.s32 $0x88, s3;
	s6 =	simm.s32 @!p1 $0x1082;
	[sflag:s4] =	ssyncset.s32 $0xFFFFF086  }
0x25: {  	[simem:s6], [sflag:s4] =	dma.local [hbm:s3], $0xF7A  }
0x26: {  	[smem:$0x3F9F] =	sst s1;
	(tag) =	ssettag s2;
	_ =	strace s9  }
0x27: {  	s1 =	sld [smem:$0x3FAF]  }
0x28: {  	s2 =	sld [smem:$0x3FB0]  }
0x29: {  	s4 =	sld [smem:$0x3FB2]  }
0x2a: {  	p0 =	seq.s32 s5, $0x0;
	s5 =	sld [smem:$0x3FB3]  }
0x2b: {  	s6 =	sld [smem:$0x3FB4]  }
0x2c: {  	s7 =	sld [smem:$0x3FB5]  }
0x2d: {  	s3 =	simm.s32 $0x108;
	s8 =	sld [smem:$0x3FB6]  }
0x2e: {  	s3 =	simm.s32 @!p0 $0x1082;
	s9 =	sld [smem:$0x3FB7]  }
0x2f: {  	lr =	sadd.s32 s0, s3;
	s0 =	sld [smem:$0x3FAE]  }
0x30: {  	s3 =	sld [smem:$0x3FB1]  }
0x31: {  	[smem:$0x3FBA] =	sst s10  }
0x32: {  	s10 =	sld [smem:$0x3FB8];
	_ =	sdelay $0x3  }
0x33: {  	p0 =	seq.s32 s10, $0x1;
	s10 =	sld [smem:$0x3FBA];
	_ =	sdelay $0x3  }
0x34: {  	[smem:$0x3FBA] =	sst s10  }
0x35: {  	s10 =	sld [smem:$0x3FB9];
	_ =	sdelay $0x3  }
0x36: {  	p1 =	seq.s32 s10, $0x1;
	s10 =	sld [smem:$0x3FBA];
	_ =	sdelay $0x3  }
0x37: {  	[smem:$0x3FBA] =	sst s10  }
0x38: {  	s10 =	sld [smem:$0x3FBB]  }
0x39: {  	_ = 	snop;
	(pc) =	sbr.ind lr, $3  }
0x3a: {  	_ = 	snop  }
0x3b: {  	_ = 	snop  }
0x3c: {  	p2 =	seq.s32 s10, $0x1;
	s10 =	sld [smem:$0x3FBA]  }
0x3d: {  	_ =	shalt  }
0x3e: {  	_ =	shalt  }
0x3f: {  	_ =	shalt  }
0x40: {  	_ =	shalt  }
0x41: {  	_ =	shalt  }
0x42: {  	_ =	shalt  }
0x43: {  	_ =	shalt  }
0x44: {  	_ =	shalt  }
0x45: {  	_ =	shalt  }
0x46: {  	_ =	shalt  }
0x47: {  	_ =	shalt  }
0x48: {  	_ =	shalt  }
0x49: {  	_ =	shalt  }
0x4a: {  	_ =	shalt  }
0x4b: {  	_ =	shalt  }
0x4c: {  	_ =	shalt  }
0x4d: {  	_ =	shalt  }
0x4e: {  	_ =	shalt  }
0x4f: {  	_ =	shalt  }
0x50: {  	_ =	shalt  }
0x51: {  	_ =	shalt  }
0x52: {  	_ =	shalt  }
0x53: {  	_ =	shalt  }
0x54: {  	_ =	shalt  }
0x55: {  	_ =	shalt  }
0x56: {  	_ =	shalt  }
0x57: {  	_ =	shalt  }
0x58: {  	_ =	shalt  }
0x59: {  	_ =	shalt  }
0x5a: {  	_ =	shalt  }
0x5b: {  	_ =	shalt  }
0x5c: {  	_ =	shalt  }
0x5d: {  	_ =	shalt  }
0x5e: {  	_ =	shalt  }
0x5f: {  	_ =	shalt  }
0x60: {  	_ =	shalt  }
0x61: {  	_ =	shalt  }
0x62: {  	_ =	shalt  }
0x63: {  	_ =	shalt  }
0x64: {  	_ =	shalt  }
0x65: {  	_ =	shalt  }
0x66: {  	_ =	shalt  }
0x67: {  	_ =	shalt  }
0x68: {  	_ =	shalt  }
0x69: {  	_ =	shalt  }
0x6a: {  	_ =	shalt  }
0x6b: {  	_ =	shalt  }
0x6c: {  	_ =	shalt  }
0x6d: {  	_ =	shalt  }
0x6e: {  	_ =	shalt  }
0x6f: {  	_ =	shalt  }
0x70: {  	_ =	shalt  }
0x71: {  	_ =	shalt  }
0x72: {  	_ =	shalt  }
0x73: {  	_ =	shalt  }
0x74: {  	_ =	shalt  }
0x75: {  	_ =	shalt  }
0x76: {  	_ =	shalt  }
0x77: {  	_ =	shalt  }
0x78: {  	_ =	shalt  }
0x79: {  	_ =	shalt  }
0x7a: {  	_ =	shalt  }
0x7b: {  	_ =	shalt  }
0x7c: {  	_ =	shalt  }
0x7d: {  	_ =	shalt  }
0x7e: {  	_ =	shalt  }
0x7f: {  	_ =	shalt  }
0x80: {  	_ =	shalt  }
0x81: {  	_ =	shalt  }
0x82: {  	_ =	shalt  }
0x83: {  	_ =	shalt  }
0x84: {  	_ =	shalt  }
0x85: {  	_ =	shalt  }
0x86: {  	_ =	shalt  }
0x87: {  	_ =	shalt  }
.Lfunc_end0:
.L_simem_size_0:
called_computation_lowered:
.L_overlay_start_0:
0x88: {  	s2 =	sld [smem:$0x3FD9]  }
0x89: {  	s3 =	sld [smem:$0x3FFE];
	_ =	sdelay $0x1  }
0x8a: {  	s1 =	srdreg.scid  }
0x8b: {  	s0 =	sand.u32 $0x1, s1  }
0x8c: {  	s18 =	sshll.u32 s0, $0xA;
	s2 =	sadd.s32 s3, s2  }
0x8d: {  	s2 =	sadd.s32 s2, s18  }
0x8e: {  	[smem:$0x3FC6] =	sst s2  }
0x8f: {  	_ = 	snop  }
0x90: {  	s2 =	sld [smem:$0x3FC9]  }
0x91: {  	s19 =	sld [smem:$0x3FC8]  }
0x92: {  	s4 =	sld [smem:$0x3FD0];
	(tm) =	ssettm $0x1  }
0x93: {  	s5 =	sld [smem:$0x3FFB];
	_ =	sdelay $0x3  }
0x94: {  	_ =	strace s5  }
0x95: {  	s5 =	sld [smem:$0x3FFC];
	_ =	sdelay $0x3  }
0x96: {  	_ =	strace s5  }
0x97: {  	s5 =	sld [smem:$0x3FFD];
	_ =	sdelay $0x3  }
0x98: {  	_ =	strace s5  }
0x99: {  	_ =	strace $0x8FFFFFFF  }
0x9a: {  	s20 =	sld [smem:$0x3FDB];
	_ =	sdelay $0x1  }
0x9b: {  	s6 =	simm.s32 $_scs_section_size  }
0x9c: {  	s7 =	simm.s32 $_size__tile_overlayer_lowered;
	s8 =	simm.s32 $_tile_overlayer_lowered  }
0x9d: {  	s23 =	simm.s32 $0x1BFF;
	s22 =	sshll.u32 s8, $0x1;
	s5 =	sadd.s32 s6, s20  }
0x9e: {  	s9 =	simm.s32 $0x0;
	s21 =	sshll.u32 s7, $0x1;
	s7 =	sadd.s32 s22, s5  }
0x9f: {  	[timem:s9], [sflag:s23] =	dma.local [hbm:s7], s21  }
0xa0: {  	_ =	swait.ge [sflag:s23], s21  }
0xa1: {  	s6 =	ssub.s32 $0x0, s21;
	[sflag:s23] =	ssyncset.done $0x0  }
0xa2: {  	[sflag:s23] =	ssyncadd.s32 s6;
	_ =	sdelay $0x1  }
0xa3: {  	s24 =	simm.s32 $0x1B8B  }
0xa4: {  	_ =	swait.ge [sflag:s24], $0x1  }
0xa5: {  	[sflag:s24] =	ssyncset.done $0x0  }
0xa6: {  	s25 =	simm.s32 $0x1B8E;
	[sflag:s24] =	ssyncadd.s32 $0xFFFFFFFF  }
0xa7: {  	s26 =	simm.s32 $execute0_lowered;
	[smem:$0x3FD2] =	sst s25  }
0xa8: {  	s6 =	sshll.u32 s26, $0x1;
	_ =	strace $0x80000046;
	[dreg:$0x1] =	wrdreg $0xFFFFFFFF  }
0xa9: {  	s28 =	simm.s32 $_size_execute0_lowered;
	s5 =	sadd.s32 s5, s6;
	[dreg:$0x0] =	wrdreg $0x0  }
0xaa: {  	s6 =	sshll.u32 s28, $0x1;
	[dreg:$0x2] =	wrdreg s5  }
0xab: {  	[dreg:$0x3] =	wrdreg s6  }
0xac: {  	[dreg:$0x4] =	wrdreg $0xC0  }
0xad: {  	_ =	task [dreg:s9], $0x5FFFF  }
0xae: {  	[dreg:$0x1] =	wrdreg $0xFFFFFFFF  }
0xaf: {  	[dreg:$0x0] =	wrdreg $0x60  }
0xb0: {  	[dreg:$0x2] =	wrdreg s2  }
0xb1: {  	[dreg:$0x3] =	wrdreg s19  }
0xb2: {  	[dreg:$0x4] =	wrdreg s4  }
0xb3: {  	[dreg:$0x5] =	wrdreg $0x9  }
0xb4: {  	_ =	task.clear_ibuf [dreg:s9], $0x6FFFF;
	_ =	strace $0x90000046  }
0xb5: {  	s29 =	simm.s32 $0x9;
	_ =	strace $0x80000048  }
0xb6: {  	_ =	swait.ge [sflag:s29], $0x1  }
0xb7: {  	[sflag:s29] =	ssyncadd.s32 $0xFFFFFFFF  }
0xb8: {  	_ =	strace $0x90000048  }
0xb9: {  	_ =	sfence  }
0xba: {  	s30 =	sld [smem:$0x0];
	_ =	sdelay $0x2  }
0xbb: {  	s31 =	sshll.u32 s1, $0xD;
	s1 =	sshrl.u32 s1, $0x2  }
0xbc: {  	s3 =	sand.u32 $0x4000, s31;
	s1 =	sadd.s32 s1, s30  }
0xbd: {  	s0 =	sor.u32 s3, s0;
	s1 =	sshll.u32 s1, $0x11  }
0xbe: {  	s0 =	sor.u32 s1, s0  }
0xbf: {  	s0 =	sadd.s32 $0x8F2B, s0  }
0xc0: {  	[sflag:s0] =	ssyncadd.remote.s32 $0x1  }
0xc1: {  	_ =	sfence.sel $0xFFFF  }
0xc2: {  	[dreg:$0x0] =	wrdreg $0xFFFFFFFF;
	(pc) =	sbr.abs _section_cstart, $3  }
0xc3: {  	[dreg:$0x1] =	wrdreg $0xFFFFFFFF  }
0xc4: {  	_ =	task.clear_ibuf [dreg:s9], $0x2FFFF;
	_ =	strace $0x9FFFFFFF  }
0xc5: {  	(tm) =	ssettm $0x7FFFFFFF  }
tec
execute0_lowered:
.L_overlay_start_1:
0x0: {  	(tag) =	ssettag $0x1  }
0x1: {  	s1 =	rddreg [dreg:$0x0]  }
0x2: {  	s9 =	rddreg [dreg:$0x1]  }
0x3: {  	s10 =	rddreg [dreg:$0x2]  }
0x4: {  	s0 =	rddreg [dreg:$0x3];
	s3 =	simm.s32 $0x0  }
0x5: {  	s4 =	srdreg.scid;
	s2 =	stileid.u32;
	s19 =	simm.s32 $0x2  }
0x6: {  	s20 =	simm.s32 $0x1C700;
	s21 =	simm.s32 $0x1D700;
	s22 =	simm.s32 $0x3  }
0x7: {  	s23 =	simm.s32 $0x4;
	s24 =	simm.s32 $0x0;
	[smem:$0x7FF] =	sst s3  }
0x8: {  	s4 =	sand.u32 $0x1, s4;
	s5 =	sshll.u32 s2, $0x9;
	s6 =	sshrl.u32 s2, $0x1  }
0x9: {  	s30 =	sadd.s32 $0x1000, s10;
	s15 =	sadd.s32 $0x2000, s10;
	s17 =	sadd.s32 $0x3000, s10  }
0xa: {  	s7 =	sshll.u32 s4, $0x8;
	s5 =	sand.u32 $0x200, s5;
	s8 =	smul.u32 $0xC3800, s6  }
0xb: {  	_ =	strace $0x80000047;
	s4 =	ssub.s32 $0x2, s4;
	s7 =	sor.u32 s7, s5  }
0xc: {  	s11 =	sshll.u32 s6, $0x11;
	s12 =	sshrl.u32 s4, $0x1;
	s5 =	sor.u32 s8, s7  }
0xd: {  	s6 =	sor.u32 s11, s7;
	s14 =	ssub.s32 s4, s12;
	s16 =	sor.u32 $0x80, s7  }
0xe: {  	s5 =	sshrl.u32 s5, $0x3;
	s13 =	sshrl.u32 s6, $0x3;
	s8 =	sor.u32 s8, s16  }
0xf: {  	s11 =	sor.u32 s11, s16;
	s14 =	smax.u32 s14, $0x1;
	s16 =	simm.s32 $0x80  }
0x10: {  	s4 =	sadd.s32 s9, s5;
	s5 =	sadd.s32 s10, s13;
	s6 =	sadd.s32 s13, s30  }
0x11: {  	s7 =	sadd.s32 s13, s15;
	s18 =	sshrl.u32 s8, $0x3;
	s31 =	sshrl.u32 s11, $0x3  }
0x12: {  	s8 =	sadd.s32 s13, s17;
	s9 =	sadd.s32 s9, s18;
	s10 =	sadd.s32 s10, s31  }
0x13: {  	s11 =	sadd.s32 s31, s30;
	s12 =	sadd.s32 s31, s15;
	s13 =	sadd.s32 s31, s17  }
0x14: {  	s15 =	simm.s32 $0x18700;
	s17 =	simm.s32 $0x400;
	s18 =	simm.s32 $0x1  }
.LBB2_1:
0x15: {  	[tilespmem:s15], [sflag:$0x2] =	stream.linear.gather [hbm4b:s1+s3], $0x4000, $0x38;
	[tilespmem:$0x1E700] =	vst v63  }
0x16: {  	_ = 	snop  }
0x17: {  	[tilespmem:s3], [sflag:$0x1] =	stream.strided.gather [hbm4b:s4+s16], $0x18700, s17, s16, $0x38;
	[tilespmem:$0x1E700] =	vst v63  }
0x18: {  	_ =	swait.ge [sflag:s18], $0x18700  }
0x19: {  	[sflag:s18] =	ssyncset.done $0x0  }
0x1a: {  	[sflag:s18] =	ssyncadd.s32 $0xFFFE7900  }
0x1b: {  	_ =	swait.ge [sflag:s19], $0x4000  }
0x1c: {  	[sflag:s19] =	ssyncset.done $0x0  }
0x1d: {  	s25 =	simm.s32 $0x18740;
	[sflag:s19] =	ssyncadd.s32 $0xFFFFC000  }
0x1e: {  	v0 =	vld [tilespmem:s25+$0x30]  }
0x1f: {  	v1 =	vld [tilespmem:s25+$0xFFFFFFD0]  }
0x20: {  	v2 =	vld [tilespmem:s25+$0xFFFFFFE0]  }
0x21: {  	v3 =	vld [tilespmem:s25+$0xFFFFFFF0]  }
0x22: {  	v6 =	vld [tilespmem:s25+$0x0]  }
0x23: {  	v7 =	vld [tilespmem:s25+$0x10]  }
0x24: {  	v8 =	vld [tilespmem:s25+$0x20]  }
0x25: {  	v9 =	vld [tilespmem:s25+$0xFFFFFFC0]  }
0x26: {  	v10 =	vld.idx.msk [tilespmem:v0+s3+$0x0], $0xffff  }
0x27: {  	v11 =	vld.idx.msk [tilespmem:v1+s3+$0x0], $0xffff  }
0x28: {  	v5 =	vld.idx.msk [tilespmem:v2+s3+$0x0], $0xffff  }
0x29: {  	v4 =	vld.idx.msk [tilespmem:v3+s3+$0x0], $0xffff  }
0x2a: {  	v3 =	vld.idx.msk [tilespmem:v6+s3+$0x0], $0xffff  }
0x2b: {  	v1 =	vld.idx.msk [tilespmem:v7+s3+$0x0], $0xffff  }
0x2c: {  	v0 =	vld.idx.msk [tilespmem:v8+s3+$0x0], $0xffff;
	v6 =	vmul.f32 $1.000000000e+01, v10  }
0x2d: {  	s26 =	simm.s32 $0x0;
	s28 =	simm.s32 $0x187C0;
	s25 =	simm.s32 $0x1C740;
	v2 =	vld.idx.msk [tilespmem:v9+s3+$0x0], $0xffff;
	v7 =	vmul.f32 $1.000000000e+01, v11  }
.LBB2_2:
0x2e: {  	v8 =	vld [tilespmem:s28+$0x30];
	s26 =	sadd.s32 $0x8, s26;
	v5 =	vmul.f32 $1.000000000e+01, v5;
	[tilespmem:s25+$0x30] =	vst v6  }
0x2f: {  	v4 =	vmul.f32 $1.000000000e+01, v4;
	v6 =	vld [tilespmem:s28+$0xFFFFFFD0];
	p0 =	slt.u32 s26, $0xF8;
	[tilespmem:s25+$0xFFFFFFD0] =	vst v7  }
0x30: {  	v3 =	vmul.f32 $1.000000000e+01, v3;
	v7 =	vld [tilespmem:s28+$0xFFFFFFE0];
	[tilespmem:s25+$0xFFFFFFE0] =	vst v5  }
0x31: {  	v1 =	vmul.f32 $1.000000000e+01, v1;
	v9 =	vld [tilespmem:s28+$0xFFFFFFF0];
	[tilespmem:s25+$0xFFFFFFF0] =	vst v4  }
0x32: {  	v0 =	vmul.f32 $1.000000000e+01, v0;
	v10 =	vld [tilespmem:s28+$0x0];
	[tilespmem:s25+$0x0] =	vst v3  }
0x33: {  	v2 =	vmul.f32 $1.000000000e+01, v2;
	v11 =	vld [tilespmem:s28+$0x10];
	[tilespmem:s25+$0x10] =	vst v1  }
0x34: {  	v12 =	vld [tilespmem:s28+$0x20];
	[tilespmem:s25+$0x20] =	vst v0  }
0x35: {  	v13 =	vld [tilespmem:s28+$0xFFFFFFC0];
	[tilespmem:s25+$0xFFFFFFC0] =	vst v2  }
0x36: {  	v2 =	vld.idx.msk [tilespmem:v8+s3+$0x0], $0xffff  }
0x37: {  	v8 =	vld.idx.msk [tilespmem:v6+s3+$0x0], $0xffff  }
0x38: {  	v5 =	vld.idx.msk [tilespmem:v7+s3+$0x0], $0xffff  }
.Ltmp0:
0x39: {  	v4 =	vld.idx.msk [tilespmem:v9+s3+$0x0], $0xffff;
	(pc) =	sbr.rel @p0 .LBB2_2-.Ltmp0, $4  }
0x3a: {  	v3 =	vld.idx.msk [tilespmem:v10+s3+$0x0], $0xffff  }
0x3b: {  	v1 =	vld.idx.msk [tilespmem:v11+s3+$0x0], $0xffff  }
0x3c: {  	v6 =	vmul.f32 $1.000000000e+01, v2;
	v0 =	vld.idx.msk [tilespmem:v12+s3+$0x0], $0xffff  }
0x3d: {  	s28 =	sadd.s32 $0x80, s28;
	s25 =	sadd.s32 $0x80, s25;
	v7 =	vmul.f32 $1.000000000e+01, v8;
	v2 =	vld.idx.msk [tilespmem:v13+s3+$0x0], $0xffff  }
0x3e: {  	v5 =	vmul.f32 $1.000000000e+01, v5;
	[tilespmem:s25+$0x30] =	vst v6  }
0x3f: {  	v4 =	vmul.f32 $1.000000000e+01, v4;
	[tilespmem:s25+$0xFFFFFFD0] =	vst v7  }
0x40: {  	v3 =	vmul.f32 $1.000000000e+01, v3;
	[tilespmem:s25+$0xFFFFFFE0] =	vst v5  }
0x41: {  	[tilespmem:s25+$0xFFFFFFF0] =	vst v4;
	v1 =	vmul.f32 $1.000000000e+01, v1  }
0x42: {  	[tilespmem:s25+$0x0] =	vst v3;
	v0 =	vmul.f32 $1.000000000e+01, v0  }
0x43: {  	v2 =	vmul.f32 $1.000000000e+01, v2;
	[tilespmem:s25+$0x10] =	vst v1  }
0x44: {  	[tilespmem:s25+$0x20] =	vst v0  }
0x45: {  	s31 =	simm.s32 $0x19770;
	[tilespmem:s25+$0xFFFFFFC0] =	vst v2  }
0x46: {  	[hbm4b:s5+s16] =	stream.strided.scatter [tilespmem:s20], [sflag:$0x3], $0x1000, s17, s16, $0x38;
	[tilespmem:$0x1E700] =	vst v63  }
0x47: {  	v0 =	vld [tilespmem:s31+$0x0]  }
0x48: {  	v1 =	vld [tilespmem:s31+$0xFFFFFFA0]  }
0x49: {  	v2 =	vld [tilespmem:s31+$0xFFFFFFB0]  }
0x4a: {  	v3 =	vld [tilespmem:s31+$0xFFFFFFC0]  }
0x4b: {  	v6 =	vld [tilespmem:s31+$0xFFFFFFD0]  }
0x4c: {  	v7 =	vld [tilespmem:s31+$0xFFFFFFE0]  }
0x4d: {  	v8 =	vld [tilespmem:s31+$0xFFFFFFF0]  }
0x4e: {  	v9 =	vld [tilespmem:s31+$0xFFFFFF90]  }
0x4f: {  	v10 =	vld.idx.msk [tilespmem:v0+s3+$0x0], $0xffff  }
0x50: {  	v11 =	vld.idx.msk [tilespmem:v1+s3+$0x0], $0xffff  }
0x51: {  	v5 =	vld.idx.msk [tilespmem:v2+s3+$0x0], $0xffff  }
0x52: {  	v4 =	vld.idx.msk [tilespmem:v3+s3+$0x0], $0xffff  }
0x53: {  	v3 =	vld.idx.msk [tilespmem:v6+s3+$0x0], $0xffff  }
0x54: {  	v1 =	vld.idx.msk [tilespmem:v7+s3+$0x0], $0xffff  }
0x55: {  	v0 =	vld.idx.msk [tilespmem:v8+s3+$0x0], $0xffff;
	v6 =	vmul.f32 $1.000000000e+01, v10  }
0x56: {  	s26 =	simm.s32 $0x0;
	s28 =	simm.s32 $0x197F0;
	s25 =	simm.s32 $0x1D740;
	v2 =	vld.idx.msk [tilespmem:v9+s3+$0x0], $0xffff;
	v7 =	vmul.f32 $1.000000000e+01, v11  }
.LBB2_4:
0x57: {  	v8 =	vld [tilespmem:s28+$0x0];
	s26 =	sadd.s32 $0x8, s26;
	v5 =	vmul.f32 $1.000000000e+01, v5;
	[tilespmem:s25+$0x30] =	vst v6  }
0x58: {  	v4 =	vmul.f32 $1.000000000e+01, v4;
	v6 =	vld [tilespmem:s28+$0xFFFFFFA0];
	p0 =	slt.u32 s26, $0xF8;
	[tilespmem:s25+$0xFFFFFFD0] =	vst v7  }
0x59: {  	v3 =	vmul.f32 $1.000000000e+01, v3;
	v7 =	vld [tilespmem:s28+$0xFFFFFFB0];
	[tilespmem:s25+$0xFFFFFFE0] =	vst v5  }
0x5a: {  	v1 =	vmul.f32 $1.000000000e+01, v1;
	v9 =	vld [tilespmem:s28+$0xFFFFFFC0];
	[tilespmem:s25+$0xFFFFFFF0] =	vst v4  }
0x5b: {  	v0 =	vmul.f32 $1.000000000e+01, v0;
	v10 =	vld [tilespmem:s28+$0xFFFFFFD0];
	[tilespmem:s25+$0x0] =	vst v3  }
0x5c: {  	v2 =	vmul.f32 $1.000000000e+01, v2;
	v11 =	vld [tilespmem:s28+$0xFFFFFFE0];
	[tilespmem:s25+$0x10] =	vst v1  }
0x5d: {  	v12 =	vld [tilespmem:s28+$0xFFFFFFF0];
	[tilespmem:s25+$0x20] =	vst v0  }
0x5e: {  	v13 =	vld [tilespmem:s28+$0xFFFFFF90];
	[tilespmem:s25+$0xFFFFFFC0] =	vst v2  }
0x5f: {  	v2 =	vld.idx.msk [tilespmem:v8+s3+$0x0], $0xffff  }
0x60: {  	v8 =	vld.idx.msk [tilespmem:v6+s3+$0x0], $0xffff  }
0x61: {  	v5 =	vld.idx.msk [tilespmem:v7+s3+$0x0], $0xffff  }
.Ltmp1:
0x62: {  	v4 =	vld.idx.msk [tilespmem:v9+s3+$0x0], $0xffff;
	(pc) =	sbr.rel @p0 .LBB2_4-.Ltmp1, $4  }
0x63: {  	v3 =	vld.idx.msk [tilespmem:v10+s3+$0x0], $0xffff  }
0x64: {  	v1 =	vld.idx.msk [tilespmem:v11+s3+$0x0], $0xffff  }
0x65: {  	v6 =	vmul.f32 $1.000000000e+01, v2;
	v0 =	vld.idx.msk [tilespmem:v12+s3+$0x0], $0xffff  }
0x66: {  	s28 =	sadd.s32 $0x80, s28;
	s25 =	sadd.s32 $0x80, s25;
	v7 =	vmul.f32 $1.000000000e+01, v8;
	v2 =	vld.idx.msk [tilespmem:v13+s3+$0x0], $0xffff  }
0x67: {  	v5 =	vmul.f32 $1.000000000e+01, v5;
	[tilespmem:s25+$0x30] =	vst v6  }
0x68: {  	v4 =	vmul.f32 $1.000000000e+01, v4;
	[tilespmem:s25+$0xFFFFFFD0] =	vst v7  }
0x69: {  	v3 =	vmul.f32 $1.000000000e+01, v3;
	[tilespmem:s25+$0xFFFFFFE0] =	vst v5  }
0x6a: {  	[tilespmem:s25+$0xFFFFFFF0] =	vst v4;
	v1 =	vmul.f32 $1.000000000e+01, v1  }
0x6b: {  	[tilespmem:s25+$0x0] =	vst v3;
	v0 =	vmul.f32 $1.000000000e+01, v0  }
0x6c: {  	v2 =	vmul.f32 $1.000000000e+01, v2;
	[tilespmem:s25+$0x10] =	vst v1  }
0x6d: {  	[tilespmem:s25+$0x20] =	vst v0  }
0x6e: {  	[tilespmem:s25+$0xFFFFFFC0] =	vst v2  }
0x6f: {  	[hbm4b:s6+s16] =	stream.strided.scatter [tilespmem:s21], [sflag:$0x4], $0x1000, s17, s16, $0x38;
	[tilespmem:$0x1E700] =	vst v63  }
0x70: {  	_ =	swait.ge [sflag:s22], $0x1000  }
0x71: {  	[sflag:s22] =	ssyncset.done $0x0  }
0x72: {  	s31 =	simm.s32 $0x1A770;
	[sflag:s22] =	ssyncadd.s32 $0xFFFFF000  }
0x73: {  	v0 =	vld [tilespmem:s31+$0x0]  }
0x74: {  	v1 =	vld [tilespmem:s31+$0xFFFFFFA0]  }
0x75: {  	v2 =	vld [tilespmem:s31+$0xFFFFFFB0]  }
0x76: {  	v3 =	vld [tilespmem:s31+$0xFFFFFFC0]  }
0x77: {  	v6 =	vld [tilespmem:s31+$0xFFFFFFD0]  }
0x78: {  	v7 =	vld [tilespmem:s31+$0xFFFFFFE0]  }
0x79: {  	v8 =	vld [tilespmem:s31+$0xFFFFFFF0]  }
0x7a: {  	v9 =	vld [tilespmem:s31+$0xFFFFFF90]  }
0x7b: {  	v10 =	vld.idx.msk [tilespmem:v0+s3+$0x0], $0xffff  }
0x7c: {  	v11 =	vld.idx.msk [tilespmem:v1+s3+$0x0], $0xffff  }
0x7d: {  	v5 =	vld.idx.msk [tilespmem:v2+s3+$0x0], $0xffff  }
0x7e: {  	v4 =	vld.idx.msk [tilespmem:v3+s3+$0x0], $0xffff  }
0x7f: {  	v3 =	vld.idx.msk [tilespmem:v6+s3+$0x0], $0xffff  }
0x80: {  	v1 =	vld.idx.msk [tilespmem:v7+s3+$0x0], $0xffff  }
0x81: {  	v0 =	vld.idx.msk [tilespmem:v8+s3+$0x0], $0xffff;
	v6 =	vmul.f32 $1.000000000e+01, v10  }
0x82: {  	s26 =	simm.s32 $0x0;
	s28 =	simm.s32 $0x1A7F0;
	s25 =	simm.s32 $0x1C740;
	v2 =	vld.idx.msk [tilespmem:v9+s3+$0x0], $0xffff;
	v7 =	vmul.f32 $1.000000000e+01, v11  }
.LBB2_6:
0x83: {  	v8 =	vld [tilespmem:s28+$0x0];
	s26 =	sadd.s32 $0x8, s26;
	v5 =	vmul.f32 $1.000000000e+01, v5;
	[tilespmem:s25+$0x30] =	vst v6  }
0x84: {  	v4 =	vmul.f32 $1.000000000e+01, v4;
	v6 =	vld [tilespmem:s28+$0xFFFFFFA0];
	p0 =	slt.u32 s26, $0xF8;
	[tilespmem:s25+$0xFFFFFFD0] =	vst v7  }
0x85: {  	v3 =	vmul.f32 $1.000000000e+01, v3;
	v7 =	vld [tilespmem:s28+$0xFFFFFFB0];
	[tilespmem:s25+$0xFFFFFFE0] =	vst v5  }
0x86: {  	v1 =	vmul.f32 $1.000000000e+01, v1;
	v9 =	vld [tilespmem:s28+$0xFFFFFFC0];
	[tilespmem:s25+$0xFFFFFFF0] =	vst v4  }
0x87: {  	v0 =	vmul.f32 $1.000000000e+01, v0;
	v10 =	vld [tilespmem:s28+$0xFFFFFFD0];
	[tilespmem:s25+$0x0] =	vst v3  }
0x88: {  	v2 =	vmul.f32 $1.000000000e+01, v2;
	v11 =	vld [tilespmem:s28+$0xFFFFFFE0];
	[tilespmem:s25+$0x10] =	vst v1  }
0x89: {  	v12 =	vld [tilespmem:s28+$0xFFFFFFF0];
	[tilespmem:s25+$0x20] =	vst v0  }
0x8a: {  	v13 =	vld [tilespmem:s28+$0xFFFFFF90];
	[tilespmem:s25+$0xFFFFFFC0] =	vst v2  }
0x8b: {  	v2 =	vld.idx.msk [tilespmem:v8+s3+$0x0], $0xffff  }
0x8c: {  	v8 =	vld.idx.msk [tilespmem:v6+s3+$0x0], $0xffff  }
0x8d: {  	v5 =	vld.idx.msk [tilespmem:v7+s3+$0x0], $0xffff  }
.Ltmp2:
0x8e: {  	v4 =	vld.idx.msk [tilespmem:v9+s3+$0x0], $0xffff;
	(pc) =	sbr.rel @p0 .LBB2_6-.Ltmp2, $4  }
0x8f: {  	v3 =	vld.idx.msk [tilespmem:v10+s3+$0x0], $0xffff  }
0x90: {  	v1 =	vld.idx.msk [tilespmem:v11+s3+$0x0], $0xffff  }
0x91: {  	v6 =	vmul.f32 $1.000000000e+01, v2;
	v0 =	vld.idx.msk [tilespmem:v12+s3+$0x0], $0xffff  }
0x92: {  	s28 =	sadd.s32 $0x80, s28;
	s25 =	sadd.s32 $0x80, s25;
	v7 =	vmul.f32 $1.000000000e+01, v8;
	v2 =	vld.idx.msk [tilespmem:v13+s3+$0x0], $0xffff  }
0x93: {  	v5 =	vmul.f32 $1.000000000e+01, v5;
	[tilespmem:s25+$0x30] =	vst v6  }
0x94: {  	v4 =	vmul.f32 $1.000000000e+01, v4;
	[tilespmem:s25+$0xFFFFFFD0] =	vst v7  }
0x95: {  	v3 =	vmul.f32 $1.000000000e+01, v3;
	[tilespmem:s25+$0xFFFFFFE0] =	vst v5  }
0x96: {  	[tilespmem:s25+$0xFFFFFFF0] =	vst v4;
	v1 =	vmul.f32 $1.000000000e+01, v1  }
0x97: {  	[tilespmem:s25+$0x0] =	vst v3;
	v0 =	vmul.f32 $1.000000000e+01, v0  }
0x98: {  	v2 =	vmul.f32 $1.000000000e+01, v2;
	[tilespmem:s25+$0x10] =	vst v1  }
0x99: {  	[tilespmem:s25+$0x20] =	vst v0  }
0x9a: {  	[tilespmem:s25+$0xFFFFFFC0] =	vst v2  }
0x9b: {  	[hbm4b:s7+s16] =	stream.strided.scatter [tilespmem:s20], [sflag:$0x3], $0x1000, s17, s16, $0x38;
	[tilespmem:$0x1E700] =	vst v63  }
0x9c: {  	_ =	swait.ge [sflag:s23], $0x1000  }
0x9d: {  	[sflag:s23] =	ssyncset.done $0x0  }
0x9e: {  	s31 =	simm.s32 $0x1B770;
	[sflag:s23] =	ssyncadd.s32 $0xFFFFF000  }
0x9f: {  	v0 =	vld [tilespmem:s31+$0x0]  }
0xa0: {  	v1 =	vld [tilespmem:s31+$0xFFFFFFA0]  }
0xa1: {  	v2 =	vld [tilespmem:s31+$0xFFFFFFB0]  }
0xa2: {  	v3 =	vld [tilespmem:s31+$0xFFFFFFC0]  }
0xa3: {  	v6 =	vld [tilespmem:s31+$0xFFFFFFD0]  }
0xa4: {  	v7 =	vld [tilespmem:s31+$0xFFFFFFE0]  }
0xa5: {  	v8 =	vld [tilespmem:s31+$0xFFFFFFF0]  }
0xa6: {  	v9 =	vld [tilespmem:s31+$0xFFFFFF90]  }
0xa7: {  	v10 =	vld.idx.msk [tilespmem:v0+s3+$0x0], $0xffff  }
0xa8: {  	v11 =	vld.idx.msk [tilespmem:v1+s3+$0x0], $0xffff  }
0xa9: {  	v5 =	vld.idx.msk [tilespmem:v2+s3+$0x0], $0xffff  }
0xaa: {  	v4 =	vld.idx.msk [tilespmem:v3+s3+$0x0], $0xffff  }
0xab: {  	v3 =	vld.idx.msk [tilespmem:v6+s3+$0x0], $0xffff  }
0xac: {  	v1 =	vld.idx.msk [tilespmem:v7+s3+$0x0], $0xffff  }
0xad: {  	v0 =	vld.idx.msk [tilespmem:v8+s3+$0x0], $0xffff;
	v6 =	vmul.f32 $1.000000000e+01, v10  }
0xae: {  	s26 =	simm.s32 $0x0;
	s28 =	simm.s32 $0x1B7F0;
	s25 =	simm.s32 $0x1D740;
	v2 =	vld.idx.msk [tilespmem:v9+s3+$0x0], $0xffff;
	v7 =	vmul.f32 $1.000000000e+01, v11  }
.LBB2_8:
0xaf: {  	v8 =	vld [tilespmem:s28+$0x0];
	s26 =	sadd.s32 $0x8, s26;
	v5 =	vmul.f32 $1.000000000e+01, v5;
	[tilespmem:s25+$0x30] =	vst v6  }
0xb0: {  	v4 =	vmul.f32 $1.000000000e+01, v4;
	v6 =	vld [tilespmem:s28+$0xFFFFFFA0];
	p0 =	slt.u32 s26, $0xF8;
	[tilespmem:s25+$0xFFFFFFD0] =	vst v7  }
0xb1: {  	v3 =	vmul.f32 $1.000000000e+01, v3;
	v7 =	vld [tilespmem:s28+$0xFFFFFFB0];
	[tilespmem:s25+$0xFFFFFFE0] =	vst v5  }
0xb2: {  	v1 =	vmul.f32 $1.000000000e+01, v1;
	v9 =	vld [tilespmem:s28+$0xFFFFFFC0];
	[tilespmem:s25+$0xFFFFFFF0] =	vst v4  }
0xb3: {  	v0 =	vmul.f32 $1.000000000e+01, v0;
	v10 =	vld [tilespmem:s28+$0xFFFFFFD0];
	[tilespmem:s25+$0x0] =	vst v3  }
0xb4: {  	v2 =	vmul.f32 $1.000000000e+01, v2;
	v11 =	vld [tilespmem:s28+$0xFFFFFFE0];
	[tilespmem:s25+$0x10] =	vst v1  }
0xb5: {  	v12 =	vld [tilespmem:s28+$0xFFFFFFF0];
	[tilespmem:s25+$0x20] =	vst v0  }
0xb6: {  	v13 =	vld [tilespmem:s28+$0xFFFFFF90];
	[tilespmem:s25+$0xFFFFFFC0] =	vst v2  }
0xb7: {  	v2 =	vld.idx.msk [tilespmem:v8+s3+$0x0], $0xffff  }
0xb8: {  	v8 =	vld.idx.msk [tilespmem:v6+s3+$0x0], $0xffff  }
0xb9: {  	v5 =	vld.idx.msk [tilespmem:v7+s3+$0x0], $0xffff  }
.Ltmp3:
0xba: {  	v4 =	vld.idx.msk [tilespmem:v9+s3+$0x0], $0xffff;
	(pc) =	sbr.rel @p0 .LBB2_8-.Ltmp3, $4  }
0xbb: {  	v3 =	vld.idx.msk [tilespmem:v10+s3+$0x0], $0xffff  }
0xbc: {  	v1 =	vld.idx.msk [tilespmem:v11+s3+$0x0], $0xffff  }
0xbd: {  	v6 =	vmul.f32 $1.000000000e+01, v2;
	v0 =	vld.idx.msk [tilespmem:v12+s3+$0x0], $0xffff  }
0xbe: {  	s28 =	sadd.s32 $0x80, s28;
	s25 =	sadd.s32 $0x80, s25;
	v7 =	vmul.f32 $1.000000000e+01, v8;
	v2 =	vld.idx.msk [tilespmem:v13+s3+$0x0], $0xffff  }
0xbf: {  	v5 =	vmul.f32 $1.000000000e+01, v5;
	[tilespmem:s25+$0x30] =	vst v6  }
0xc0: {  	v4 =	vmul.f32 $1.000000000e+01, v4;
	[tilespmem:s25+$0xFFFFFFD0] =	vst v7  }
0xc1: {  	v3 =	vmul.f32 $1.000000000e+01, v3;
	[tilespmem:s25+$0xFFFFFFE0] =	vst v5  }
0xc2: {  	[tilespmem:s25+$0xFFFFFFF0] =	vst v4;
	v1 =	vmul.f32 $1.000000000e+01, v1  }
0xc3: {  	[tilespmem:s25+$0x0] =	vst v3;
	v0 =	vmul.f32 $1.000000000e+01, v0  }
0xc4: {  	v2 =	vmul.f32 $1.000000000e+01, v2;
	[tilespmem:s25+$0x10] =	vst v1  }
0xc5: {  	[tilespmem:s25+$0x20] =	vst v0  }
0xc6: {  	[tilespmem:s25+$0xFFFFFFC0] =	vst v2  }
0xc7: {  	[hbm4b:s8+s16] =	stream.strided.scatter [tilespmem:s21], [sflag:$0x4], $0x1000, s17, s16, $0x38;
	[tilespmem:$0x1E700] =	vst v63  }
0xc8: {  	_ = 	snop  }
0xc9: {  	[tilespmem:s3], [sflag:$0x1] =	stream.strided.gather [hbm4b:s9+s16], $0x18700, s17, s16, $0x38;
	[tilespmem:$0x1E700] =	vst v63  }
0xca: {  	_ =	swait.ge [sflag:s18], $0x18700  }
0xcb: {  	[sflag:s18] =	ssyncset.done $0x0  }
0xcc: {  	[sflag:s18] =	ssyncadd.s32 $0xFFFE7900  }
0xcd: {  	_ =	swait.ge [sflag:s22], $0x1000  }
0xce: {  	[sflag:s22] =	ssyncset.done $0x0  }
0xcf: {  	s31 =	simm.s32 $0x18740;
	[sflag:s22] =	ssyncadd.s32 $0xFFFFF000  }
0xd0: {  	v0 =	vld [tilespmem:s31+$0x30]  }
0xd1: {  	v1 =	vld [tilespmem:s31+$0xFFFFFFD0]  }
0xd2: {  	v2 =	vld [tilespmem:s31+$0xFFFFFFE0]  }
0xd3: {  	v3 =	vld [tilespmem:s31+$0xFFFFFFF0]  }
0xd4: {  	v6 =	vld [tilespmem:s31+$0x0]  }
0xd5: {  	v7 =	vld [tilespmem:s31+$0x10]  }
0xd6: {  	v8 =	vld [tilespmem:s31+$0x20]  }
0xd7: {  	v9 =	vld [tilespmem:s31+$0xFFFFFFC0]  }
0xd8: {  	v10 =	vld.idx.msk [tilespmem:v0+s3+$0x0], $0xffff  }
0xd9: {  	v11 =	vld.idx.msk [tilespmem:v1+s3+$0x0], $0xffff  }
0xda: {  	v5 =	vld.idx.msk [tilespmem:v2+s3+$0x0], $0xffff  }
0xdb: {  	v4 =	vld.idx.msk [tilespmem:v3+s3+$0x0], $0xffff  }
0xdc: {  	v3 =	vld.idx.msk [tilespmem:v6+s3+$0x0], $0xffff  }
0xdd: {  	v1 =	vld.idx.msk [tilespmem:v7+s3+$0x0], $0xffff  }
0xde: {  	v0 =	vld.idx.msk [tilespmem:v8+s3+$0x0], $0xffff;
	v6 =	vmul.f32 $1.000000000e+01, v10  }
0xdf: {  	s26 =	simm.s32 $0x0;
	s28 =	simm.s32 $0x187C0;
	s25 =	simm.s32 $0x1C740;
	v2 =	vld.idx.msk [tilespmem:v9+s3+$0x0], $0xffff;
	v7 =	vmul.f32 $1.000000000e+01, v11  }
.LBB2_10:
0xe0: {  	v8 =	vld [tilespmem:s28+$0x30];
	s26 =	sadd.s32 $0x8, s26;
	v5 =	vmul.f32 $1.000000000e+01, v5;
	[tilespmem:s25+$0x30] =	vst v6  }
0xe1: {  	v4 =	vmul.f32 $1.000000000e+01, v4;
	v6 =	vld [tilespmem:s28+$0xFFFFFFD0];
	p0 =	slt.u32 s26, $0xF8;
	[tilespmem:s25+$0xFFFFFFD0] =	vst v7  }
0xe2: {  	v3 =	vmul.f32 $1.000000000e+01, v3;
	v7 =	vld [tilespmem:s28+$0xFFFFFFE0];
	[tilespmem:s25+$0xFFFFFFE0] =	vst v5  }
0xe3: {  	v1 =	vmul.f32 $1.000000000e+01, v1;
	v9 =	vld [tilespmem:s28+$0xFFFFFFF0];
	[tilespmem:s25+$0xFFFFFFF0] =	vst v4  }
0xe4: {  	v0 =	vmul.f32 $1.000000000e+01, v0;
	v10 =	vld [tilespmem:s28+$0x0];
	[tilespmem:s25+$0x0] =	vst v3  }
0xe5: {  	v2 =	vmul.f32 $1.000000000e+01, v2;
	v11 =	vld [tilespmem:s28+$0x10];
	[tilespmem:s25+$0x10] =	vst v1  }
0xe6: {  	v12 =	vld [tilespmem:s28+$0x20];
	[tilespmem:s25+$0x20] =	vst v0  }
0xe7: {  	v13 =	vld [tilespmem:s28+$0xFFFFFFC0];
	[tilespmem:s25+$0xFFFFFFC0] =	vst v2  }
0xe8: {  	v2 =	vld.idx.msk [tilespmem:v8+s3+$0x0], $0xffff  }
0xe9: {  	v8 =	vld.idx.msk [tilespmem:v6+s3+$0x0], $0xffff  }
0xea: {  	v5 =	vld.idx.msk [tilespmem:v7+s3+$0x0], $0xffff  }
.Ltmp4:
0xeb: {  	v4 =	vld.idx.msk [tilespmem:v9+s3+$0x0], $0xffff;
	(pc) =	sbr.rel @p0 .LBB2_10-.Ltmp4, $4  }
0xec: {  	v3 =	vld.idx.msk [tilespmem:v10+s3+$0x0], $0xffff  }
0xed: {  	v1 =	vld.idx.msk [tilespmem:v11+s3+$0x0], $0xffff  }
0xee: {  	v6 =	vmul.f32 $1.000000000e+01, v2;
	v0 =	vld.idx.msk [tilespmem:v12+s3+$0x0], $0xffff  }
0xef: {  	s28 =	sadd.s32 $0x80, s28;
	s25 =	sadd.s32 $0x80, s25;
	v7 =	vmul.f32 $1.000000000e+01, v8;
	v2 =	vld.idx.msk [tilespmem:v13+s3+$0x0], $0xffff  }
0xf0: {  	v5 =	vmul.f32 $1.000000000e+01, v5;
	[tilespmem:s25+$0x30] =	vst v6  }
0xf1: {  	v4 =	vmul.f32 $1.000000000e+01, v4;
	[tilespmem:s25+$0xFFFFFFD0] =	vst v7  }
0xf2: {  	v3 =	vmul.f32 $1.000000000e+01, v3;
	[tilespmem:s25+$0xFFFFFFE0] =	vst v5  }
0xf3: {  	[tilespmem:s25+$0xFFFFFFF0] =	vst v4;
	v1 =	vmul.f32 $1.000000000e+01, v1  }
0xf4: {  	[tilespmem:s25+$0x0] =	vst v3;
	v0 =	vmul.f32 $1.000000000e+01, v0  }
0xf5: {  	v2 =	vmul.f32 $1.000000000e+01, v2;
	[tilespmem:s25+$0x10] =	vst v1  }
0xf6: {  	[tilespmem:s25+$0x20] =	vst v0  }
0xf7: {  	[tilespmem:s25+$0xFFFFFFC0] =	vst v2  }
0xf8: {  	[hbm4b:s10+s16] =	stream.strided.scatter [tilespmem:s20], [sflag:$0x3], $0x1000, s17, s16, $0x38;
	[tilespmem:$0x1E700] =	vst v63  }
0xf9: {  	_ =	swait.ge [sflag:s23], $0x1000  }
0xfa: {  	[sflag:s23] =	ssyncset.done $0x0  }
0xfb: {  	s31 =	simm.s32 $0x19770;
	[sflag:s23] =	ssyncadd.s32 $0xFFFFF000  }
0xfc: {  	v0 =	vld [tilespmem:s31+$0x0]  }
0xfd: {  	v1 =	vld [tilespmem:s31+$0xFFFFFFA0]  }
0xfe: {  	v2 =	vld [tilespmem:s31+$0xFFFFFFB0]  }
0xff: {  	v3 =	vld [tilespmem:s31+$0xFFFFFFC0]  }
0x100: {  	v6 =	vld [tilespmem:s31+$0xFFFFFFD0]  }
0x101: {  	v7 =	vld [tilespmem:s31+$0xFFFFFFE0]  }
0x102: {  	v8 =	vld [tilespmem:s31+$0xFFFFFFF0]  }
0x103: {  	v9 =	vld [tilespmem:s31+$0xFFFFFF90]  }
0x104: {  	v10 =	vld.idx.msk [tilespmem:v0+s3+$0x0], $0xffff  }
0x105: {  	v11 =	vld.idx.msk [tilespmem:v1+s3+$0x0], $0xffff  }
0x106: {  	v5 =	vld.idx.msk [tilespmem:v2+s3+$0x0], $0xffff  }
0x107: {  	v4 =	vld.idx.msk [tilespmem:v3+s3+$0x0], $0xffff  }
0x108: {  	v3 =	vld.idx.msk [tilespmem:v6+s3+$0x0], $0xffff  }
0x109: {  	v1 =	vld.idx.msk [tilespmem:v7+s3+$0x0], $0xffff  }
0x10a: {  	v0 =	vld.idx.msk [tilespmem:v8+s3+$0x0], $0xffff;
	v6 =	vmul.f32 $1.000000000e+01, v10  }
0x10b: {  	s26 =	simm.s32 $0x0;
	s28 =	simm.s32 $0x197F0;
	s25 =	simm.s32 $0x1D740;
	v2 =	vld.idx.msk [tilespmem:v9+s3+$0x0], $0xffff;
	v7 =	vmul.f32 $1.000000000e+01, v11  }
.LBB2_12:
0x10c: {  	v8 =	vld [tilespmem:s28+$0x0];
	s26 =	sadd.s32 $0x8, s26;
	v5 =	vmul.f32 $1.000000000e+01, v5;
	[tilespmem:s25+$0x30] =	vst v6  }
0x10d: {  	v4 =	vmul.f32 $1.000000000e+01, v4;
	v6 =	vld [tilespmem:s28+$0xFFFFFFA0];
	p0 =	slt.u32 s26, $0xF8;
	[tilespmem:s25+$0xFFFFFFD0] =	vst v7  }
0x10e: {  	v3 =	vmul.f32 $1.000000000e+01, v3;
	v7 =	vld [tilespmem:s28+$0xFFFFFFB0];
	[tilespmem:s25+$0xFFFFFFE0] =	vst v5  }
0x10f: {  	v1 =	vmul.f32 $1.000000000e+01, v1;
	v9 =	vld [tilespmem:s28+$0xFFFFFFC0];
	[tilespmem:s25+$0xFFFFFFF0] =	vst v4  }
0x110: {  	v0 =	vmul.f32 $1.000000000e+01, v0;
	v10 =	vld [tilespmem:s28+$0xFFFFFFD0];
	[tilespmem:s25+$0x0] =	vst v3  }
0x111: {  	v2 =	vmul.f32 $1.000000000e+01, v2;
	v11 =	vld [tilespmem:s28+$0xFFFFFFE0];
	[tilespmem:s25+$0x10] =	vst v1  }
0x112: {  	v12 =	vld [tilespmem:s28+$0xFFFFFFF0];
	[tilespmem:s25+$0x20] =	vst v0  }
0x113: {  	v13 =	vld [tilespmem:s28+$0xFFFFFF90];
	[tilespmem:s25+$0xFFFFFFC0] =	vst v2  }
0x114: {  	v2 =	vld.idx.msk [tilespmem:v8+s3+$0x0], $0xffff  }
0x115: {  	v8 =	vld.idx.msk [tilespmem:v6+s3+$0x0], $0xffff  }
0x116: {  	v5 =	vld.idx.msk [tilespmem:v7+s3+$0x0], $0xffff  }
.Ltmp5:
0x117: {  	v4 =	vld.idx.msk [tilespmem:v9+s3+$0x0], $0xffff;
	(pc) =	sbr.rel @p0 .LBB2_12-.Ltmp5, $4  }
0x118: {  	v3 =	vld.idx.msk [tilespmem:v10+s3+$0x0], $0xffff  }
0x119: {  	v1 =	vld.idx.msk [tilespmem:v11+s3+$0x0], $0xffff  }
0x11a: {  	v6 =	vmul.f32 $1.000000000e+01, v2;
	v0 =	vld.idx.msk [tilespmem:v12+s3+$0x0], $0xffff  }
0x11b: {  	s28 =	sadd.s32 $0x80, s28;
	s25 =	sadd.s32 $0x80, s25;
	v7 =	vmul.f32 $1.000000000e+01, v8;
	v2 =	vld.idx.msk [tilespmem:v13+s3+$0x0], $0xffff  }
0x11c: {  	v5 =	vmul.f32 $1.000000000e+01, v5;
	[tilespmem:s25+$0x30] =	vst v6  }
0x11d: {  	v4 =	vmul.f32 $1.000000000e+01, v4;
	[tilespmem:s25+$0xFFFFFFD0] =	vst v7  }
0x11e: {  	v3 =	vmul.f32 $1.000000000e+01, v3;
	[tilespmem:s25+$0xFFFFFFE0] =	vst v5  }
0x11f: {  	[tilespmem:s25+$0xFFFFFFF0] =	vst v4;
	v1 =	vmul.f32 $1.000000000e+01, v1  }
0x120: {  	[tilespmem:s25+$0x0] =	vst v3;
	v0 =	vmul.f32 $1.000000000e+01, v0  }
0x121: {  	v2 =	vmul.f32 $1.000000000e+01, v2;
	[tilespmem:s25+$0x10] =	vst v1  }
0x122: {  	[tilespmem:s25+$0x20] =	vst v0  }
0x123: {  	[tilespmem:s25+$0xFFFFFFC0] =	vst v2  }
0x124: {  	[hbm4b:s11+s16] =	stream.strided.scatter [tilespmem:s21], [sflag:$0x4], $0x1000, s17, s16, $0x38;
	[tilespmem:$0x1E700] =	vst v63  }
0x125: {  	_ =	swait.ge [sflag:s22], $0x1000  }
0x126: {  	[sflag:s22] =	ssyncset.done $0x0  }
0x127: {  	s31 =	simm.s32 $0x1A770;
	[sflag:s22] =	ssyncadd.s32 $0xFFFFF000  }
0x128: {  	v0 =	vld [tilespmem:s31+$0x0]  }
0x129: {  	v1 =	vld [tilespmem:s31+$0xFFFFFFA0]  }
0x12a: {  	v2 =	vld [tilespmem:s31+$0xFFFFFFB0]  }
0x12b: {  	v3 =	vld [tilespmem:s31+$0xFFFFFFC0]  }
0x12c: {  	v6 =	vld [tilespmem:s31+$0xFFFFFFD0]  }
0x12d: {  	v7 =	vld [tilespmem:s31+$0xFFFFFFE0]  }
0x12e: {  	v8 =	vld [tilespmem:s31+$0xFFFFFFF0]  }
0x12f: {  	v9 =	vld [tilespmem:s31+$0xFFFFFF90]  }
0x130: {  	v10 =	vld.idx.msk [tilespmem:v0+s3+$0x0], $0xffff  }
0x131: {  	v11 =	vld.idx.msk [tilespmem:v1+s3+$0x0], $0xffff  }
0x132: {  	v5 =	vld.idx.msk [tilespmem:v2+s3+$0x0], $0xffff  }
0x133: {  	v4 =	vld.idx.msk [tilespmem:v3+s3+$0x0], $0xffff  }
0x134: {  	v3 =	vld.idx.msk [tilespmem:v6+s3+$0x0], $0xffff  }
0x135: {  	v1 =	vld.idx.msk [tilespmem:v7+s3+$0x0], $0xffff  }
0x136: {  	v0 =	vld.idx.msk [tilespmem:v8+s3+$0x0], $0xffff;
	v6 =	vmul.f32 $1.000000000e+01, v10  }
0x137: {  	s26 =	simm.s32 $0x0;
	s28 =	simm.s32 $0x1A7F0;
	s25 =	simm.s32 $0x1C740;
	v2 =	vld.idx.msk [tilespmem:v9+s3+$0x0], $0xffff;
	v7 =	vmul.f32 $1.000000000e+01, v11  }
.LBB2_14:
0x138: {  	v8 =	vld [tilespmem:s28+$0x0];
	s26 =	sadd.s32 $0x8, s26;
	v5 =	vmul.f32 $1.000000000e+01, v5;
	[tilespmem:s25+$0x30] =	vst v6  }
0x139: {  	v4 =	vmul.f32 $1.000000000e+01, v4;
	v6 =	vld [tilespmem:s28+$0xFFFFFFA0];
	p0 =	slt.u32 s26, $0xF8;
	[tilespmem:s25+$0xFFFFFFD0] =	vst v7  }
0x13a: {  	v3 =	vmul.f32 $1.000000000e+01, v3;
	v7 =	vld [tilespmem:s28+$0xFFFFFFB0];
	[tilespmem:s25+$0xFFFFFFE0] =	vst v5  }
0x13b: {  	v1 =	vmul.f32 $1.000000000e+01, v1;
	v9 =	vld [tilespmem:s28+$0xFFFFFFC0];
	[tilespmem:s25+$0xFFFFFFF0] =	vst v4  }
0x13c: {  	v0 =	vmul.f32 $1.000000000e+01, v0;
	v10 =	vld [tilespmem:s28+$0xFFFFFFD0];
	[tilespmem:s25+$0x0] =	vst v3  }
0x13d: {  	v2 =	vmul.f32 $1.000000000e+01, v2;
	v11 =	vld [tilespmem:s28+$0xFFFFFFE0];
	[tilespmem:s25+$0x10] =	vst v1  }
0x13e: {  	v12 =	vld [tilespmem:s28+$0xFFFFFFF0];
	[tilespmem:s25+$0x20] =	vst v0  }
0x13f: {  	v13 =	vld [tilespmem:s28+$0xFFFFFF90];
	[tilespmem:s25+$0xFFFFFFC0] =	vst v2  }
0x140: {  	v2 =	vld.idx.msk [tilespmem:v8+s3+$0x0], $0xffff  }
0x141: {  	v8 =	vld.idx.msk [tilespmem:v6+s3+$0x0], $0xffff  }
0x142: {  	v5 =	vld.idx.msk [tilespmem:v7+s3+$0x0], $0xffff  }
.Ltmp6:
0x143: {  	v4 =	vld.idx.msk [tilespmem:v9+s3+$0x0], $0xffff;
	(pc) =	sbr.rel @p0 .LBB2_14-.Ltmp6, $4  }
0x144: {  	v3 =	vld.idx.msk [tilespmem:v10+s3+$0x0], $0xffff  }
0x145: {  	v1 =	vld.idx.msk [tilespmem:v11+s3+$0x0], $0xffff  }
0x146: {  	v6 =	vmul.f32 $1.000000000e+01, v2;
	v0 =	vld.idx.msk [tilespmem:v12+s3+$0x0], $0xffff  }
0x147: {  	s28 =	sadd.s32 $0x80, s28;
	s25 =	sadd.s32 $0x80, s25;
	v7 =	vmul.f32 $1.000000000e+01, v8;
	v2 =	vld.idx.msk [tilespmem:v13+s3+$0x0], $0xffff  }
0x148: {  	v5 =	vmul.f32 $1.000000000e+01, v5;
	[tilespmem:s25+$0x30] =	vst v6  }
0x149: {  	v4 =	vmul.f32 $1.000000000e+01, v4;
	[tilespmem:s25+$0xFFFFFFD0] =	vst v7  }
0x14a: {  	v3 =	vmul.f32 $1.000000000e+01, v3;
	[tilespmem:s25+$0xFFFFFFE0] =	vst v5  }
0x14b: {  	[tilespmem:s25+$0xFFFFFFF0] =	vst v4;
	v1 =	vmul.f32 $1.000000000e+01, v1  }
0x14c: {  	[tilespmem:s25+$0x0] =	vst v3;
	v0 =	vmul.f32 $1.000000000e+01, v0  }
0x14d: {  	v2 =	vmul.f32 $1.000000000e+01, v2;
	[tilespmem:s25+$0x10] =	vst v1  }
0x14e: {  	[tilespmem:s25+$0x20] =	vst v0  }
0x14f: {  	[tilespmem:s25+$0xFFFFFFC0] =	vst v2  }
0x150: {  	[hbm4b:s12+s16] =	stream.strided.scatter [tilespmem:s20], [sflag:$0x3], $0x1000, s17, s16, $0x38;
	[tilespmem:$0x1E700] =	vst v63  }
0x151: {  	_ =	swait.ge [sflag:s23], $0x1000  }
0x152: {  	[sflag:s23] =	ssyncset.done $0x0  }
0x153: {  	s31 =	simm.s32 $0x1B770;
	[sflag:s23] =	ssyncadd.s32 $0xFFFFF000  }
0x154: {  	v0 =	vld [tilespmem:s31+$0x0]  }
0x155: {  	v1 =	vld [tilespmem:s31+$0xFFFFFFA0]  }
0x156: {  	v2 =	vld [tilespmem:s31+$0xFFFFFFB0]  }
0x157: {  	v3 =	vld [tilespmem:s31+$0xFFFFFFC0]  }
0x158: {  	v6 =	vld [tilespmem:s31+$0xFFFFFFD0]  }
0x159: {  	v7 =	vld [tilespmem:s31+$0xFFFFFFE0]  }
0x15a: {  	v8 =	vld [tilespmem:s31+$0xFFFFFFF0]  }
0x15b: {  	v9 =	vld [tilespmem:s31+$0xFFFFFF90]  }
0x15c: {  	v10 =	vld.idx.msk [tilespmem:v0+s3+$0x0], $0xffff  }
0x15d: {  	v11 =	vld.idx.msk [tilespmem:v1+s3+$0x0], $0xffff  }
0x15e: {  	v5 =	vld.idx.msk [tilespmem:v2+s3+$0x0], $0xffff  }
0x15f: {  	v4 =	vld.idx.msk [tilespmem:v3+s3+$0x0], $0xffff  }
0x160: {  	v3 =	vld.idx.msk [tilespmem:v6+s3+$0x0], $0xffff  }
0x161: {  	v1 =	vld.idx.msk [tilespmem:v7+s3+$0x0], $0xffff  }
0x162: {  	v0 =	vld.idx.msk [tilespmem:v8+s3+$0x0], $0xffff;
	v6 =	vmul.f32 $1.000000000e+01, v10  }
0x163: {  	s26 =	simm.s32 $0x0;
	s28 =	simm.s32 $0x1B7F0;
	s25 =	simm.s32 $0x1D740;
	v2 =	vld.idx.msk [tilespmem:v9+s3+$0x0], $0xffff;
	v7 =	vmul.f32 $1.000000000e+01, v11  }
.LBB2_16:
0x164: {  	v8 =	vld [tilespmem:s28+$0x0];
	s26 =	sadd.s32 $0x8, s26;
	v5 =	vmul.f32 $1.000000000e+01, v5;
	[tilespmem:s25+$0x30] =	vst v6  }
0x165: {  	v4 =	vmul.f32 $1.000000000e+01, v4;
	v6 =	vld [tilespmem:s28+$0xFFFFFFA0];
	p0 =	slt.u32 s26, $0xF8;
	[tilespmem:s25+$0xFFFFFFD0] =	vst v7  }
0x166: {  	v3 =	vmul.f32 $1.000000000e+01, v3;
	v7 =	vld [tilespmem:s28+$0xFFFFFFB0];
	[tilespmem:s25+$0xFFFFFFE0] =	vst v5  }
0x167: {  	v1 =	vmul.f32 $1.000000000e+01, v1;
	v9 =	vld [tilespmem:s28+$0xFFFFFFC0];
	[tilespmem:s25+$0xFFFFFFF0] =	vst v4  }
0x168: {  	v0 =	vmul.f32 $1.000000000e+01, v0;
	v10 =	vld [tilespmem:s28+$0xFFFFFFD0];
	[tilespmem:s25+$0x0] =	vst v3  }
0x169: {  	v2 =	vmul.f32 $1.000000000e+01, v2;
	v11 =	vld [tilespmem:s28+$0xFFFFFFE0];
	[tilespmem:s25+$0x10] =	vst v1  }
0x16a: {  	v12 =	vld [tilespmem:s28+$0xFFFFFFF0];
	[tilespmem:s25+$0x20] =	vst v0  }
0x16b: {  	v13 =	vld [tilespmem:s28+$0xFFFFFF90];
	[tilespmem:s25+$0xFFFFFFC0] =	vst v2  }
0x16c: {  	v2 =	vld.idx.msk [tilespmem:v8+s3+$0x0], $0xffff  }
0x16d: {  	v8 =	vld.idx.msk [tilespmem:v6+s3+$0x0], $0xffff  }
0x16e: {  	v5 =	vld.idx.msk [tilespmem:v7+s3+$0x0], $0xffff  }
.Ltmp7:
0x16f: {  	v4 =	vld.idx.msk [tilespmem:v9+s3+$0x0], $0xffff;
	(pc) =	sbr.rel @p0 .LBB2_16-.Ltmp7, $4  }
0x170: {  	v3 =	vld.idx.msk [tilespmem:v10+s3+$0x0], $0xffff  }
0x171: {  	v1 =	vld.idx.msk [tilespmem:v11+s3+$0x0], $0xffff  }
0x172: {  	v6 =	vmul.f32 $1.000000000e+01, v2;
	v0 =	vld.idx.msk [tilespmem:v12+s3+$0x0], $0xffff  }
0x173: {  	s28 =	sadd.s32 $0x80, s28;
	s25 =	sadd.s32 $0x80, s25;
	v7 =	vmul.f32 $1.000000000e+01, v8;
	v2 =	vld.idx.msk [tilespmem:v13+s3+$0x0], $0xffff  }
0x174: {  	v5 =	vmul.f32 $1.000000000e+01, v5;
	[tilespmem:s25+$0x30] =	vst v6  }
0x175: {  	v4 =	vmul.f32 $1.000000000e+01, v4;
	[tilespmem:s25+$0xFFFFFFD0] =	vst v7  }
0x176: {  	v3 =	vmul.f32 $1.000000000e+01, v3;
	[tilespmem:s25+$0xFFFFFFE0] =	vst v5  }
0x177: {  	[tilespmem:s25+$0xFFFFFFF0] =	vst v4;
	v1 =	vmul.f32 $1.000000000e+01, v1  }
0x178: {  	[tilespmem:s25+$0x0] =	vst v3;
	v0 =	vmul.f32 $1.000000000e+01, v0  }
0x179: {  	v2 =	vmul.f32 $1.000000000e+01, v2;
	[tilespmem:s25+$0x10] =	vst v1  }
0x17a: {  	[tilespmem:s25+$0x20] =	vst v0  }
0x17b: {  	s24 =	sadd.s32 $0x1, s24;
	[tilespmem:s25+$0xFFFFFFC0] =	vst v2  }
0x17c: {  	[hbm4b:s13+s16] =	stream.strided.scatter [tilespmem:s21], [sflag:$0x4], $0x1000, s17, s16, $0x38;
	[tilespmem:$0x1E700] =	vst v63  }
0x17d: {  	p0 =	sne.s32 s24, s14;
	_ =	swait.ge [sflag:s22], $0x1000  }
.Ltmp8:
0x17e: {  	[sflag:s22] =	ssyncset.done $0x0;
	(pc) =	sbr.rel @p0 .LBB2_1-.Ltmp8, $4  }
0x17f: {  	[sflag:s22] =	ssyncadd.s32 $0xFFFFF000  }
0x180: {  	_ =	swait.ge [sflag:s23], $0x1000  }
0x181: {  	[sflag:s23] =	ssyncset.done $0x0  }
0x182: {  	[sflag:s23] =	ssyncadd.s32 $0xFFFFF000  }
0x183: {  	_ =	sfence.sel $0x180000  }
0x184: {  	[bflag:$0x0] =	sbarrier.arrive $0xFFFF  }
0x185: {  	p0 =	sne.s32 s2, $0x0;
	_ =	strace $0x90000047  }
0x186: {  	s0 =	sadd.s32 @!p0 $0x100000, s0;
	[bflag:$0x2] =	sbarrier.arrive $0xFFFF  }
0x187: {  	[sflag:s0] =	ssyncadd.tile.s32 @!p0 $0x1;
	_ =	shalt  }
.Lfunc_end2:
_tile_overlayer_lowered:
.L_overlay_start_2:
0x188: {  	(tag) =	ssettag $0x2  }
0x189: {  	s0 =	rddreg [dreg:$0x0];
	s2 =	stileid.u32  }
0x18a: {  	s1 =	rddreg [dreg:$0x1];
	p0 =	sne.s32 s2, $0x0  }
0x18b: {  	s3 =	rddreg [dreg:$0x2];
	[bflag:$0x3] =	sbarrier.arrive $0xFFFF;
	s2 =	simm.s32 @!p0 $0x1C05  }
0x18c: {  	[timem:s3], [sflag:s2] =	dma.local @!p0 [hbm:s0], s1  }
0x18d: {  	s0 =	simm.s32 @!p0 $0x5  }
0x18e: {  	_ =	swait.ge @!p0 [sflag:s0], s1  }
0x18f: {  	s1 =	ssub.s32 @!p0 $0x0, s1;
	[sflag:s0] =	ssyncset.done @!p0 $0x0  }
0x190: {  	[sflag:s0] =	ssyncadd.s32 @!p0 s1  }
0x191: {  	[bflag:$0x3] =	sbarrier.arrive $0xFFFF  }
0x192: {  	_ =	shalt  }

</sc_bundles>
